<compile_context>
chip_gen: v7x
topology: tpu7x:2x2x1
jax: 0.10.2.dev20260603
libtpu: 0.0.44.dev20260713+nightly
codegen_flags: <defaults>
</compile_context>

<pallas_src>
import functools

import jax
import jax.numpy as jnp
from jax import lax
from jax.experimental import pallas as pl
from jax.experimental.pallas import tpu as pltpu
from jax.experimental.pallas import tpu_sc as plsc

_NUM_SC_CORES = 2
_ALIGN = 8


def _sc_gather(s1_flat, s2_flat, row_al, col_al, ps):
    bp = row_al.shape[0]
    d = s1_flat.shape[1]
    half = bp // _NUM_SC_CORES
    win = ps + _ALIGN
    mesh = plsc.ScalarSubcoreMesh(axis_name="c", num_cores=_NUM_SC_CORES)

    @functools.partial(
        pl.kernel,
        out_type=[jax.ShapeDtypeStruct((bp, win, d), jnp.float32),
                  jax.ShapeDtypeStruct((bp, win, d), jnp.float32)],
        mesh=mesh,
        scratch_types=[
            pltpu.SMEM((half,), jnp.int32),
            pltpu.SMEM((half,), jnp.int32),
            pltpu.SemaphoreType.DMA,
            pltpu.SemaphoreType.DMA,
        ],
    )
    def gather_kernel(s1_hbm, s2_hbm, ral_hbm, cal_hbm, rows_hbm, cols_hbm,
                      ral_sm, cal_sm, sem_r, sem_c):
        cid = lax.axis_index("c")
        base = cid * half
        pltpu.async_copy(ral_hbm.at[pl.ds(base, half)], ral_sm, sem_r).wait()
        pltpu.async_copy(cal_hbm.at[pl.ds(base, half)], cal_sm, sem_c).wait()

        @pl.loop(0, half)
        def _(j):
            r_al = pl.multiple_of(ral_sm[j], _ALIGN)
            c_al = pl.multiple_of(cal_sm[j], _ALIGN)
            pltpu.async_copy(s1_hbm.at[pl.ds(r_al, win), :],
                             rows_hbm.at[base + j], sem_r)
            pltpu.async_copy(s2_hbm.at[pl.ds(c_al, win), :],
                             cols_hbm.at[base + j], sem_c)

        my_rows = rows_hbm.at[pl.ds(base, half)]
        my_cols = cols_hbm.at[pl.ds(base, half)]
        pltpu.make_async_copy(my_rows, my_rows, sem_r).wait()
        pltpu.make_async_copy(my_cols, my_cols, sem_c).wait()

    return gather_kernel(s1_flat, s2_flat, row_al, col_al)


def _tc_body(patches_sm, rows_ref, cols_ref, geo_ref, out_ref):
    num_p = geo_ref.shape[1]
    ps = geo_ref.shape[2]
    d = rows_ref.shape[2]
    i = pl.program_id(0)
    for p in range(num_p):
        rr = patches_sm[i, p, 0] % _ALIGN
        cc = patches_sm[i, p, 1] % _ALIGN
        rows = rows_ref[p, pl.ds(rr, ps), :]
        cols = cols_ref[p, pl.ds(cc, ps), :]
        rc = jnp.concatenate(
            [jnp.broadcast_to(rows[None, :, :], (ps, ps, d)),
             jnp.broadcast_to(cols[:, None, :], (ps, ps, d))], axis=-1)
        out_ref[0, p, :, :, 0:2 * d] = rc
        out_ref[0, p, :, :, 2 * d:2 * d + 1] = geo_ref[0, p][..., None]


def kernel(seq1M, seq2M, patches, geo):
    B, SR, D = seq1M.shape
    SL = seq2M.shape[1]
    P = patches.shape[1]
    PS = geo.shape[2]
    C = 2 * D + 1
    WIN = PS + _ALIGN

    bidx = jnp.arange(B, dtype=jnp.int32)[:, None]
    row_al = ((patches[:, :, 0] // _ALIGN) * _ALIGN + bidx * SR).reshape(-1)
    col_al = ((patches[:, :, 1] // _ALIGN) * _ALIGN + bidx * SL).reshape(-1)

    rows, cols = _sc_gather(seq1M.reshape(B * SR, D), seq2M.reshape(B * SL, D),
                            row_al, col_al, PS)

    grid_spec = pltpu.PrefetchScalarGridSpec(
        num_scalar_prefetch=1,
        grid=(B,),
        in_specs=[
            pl.BlockSpec((P, WIN, D), lambda i, pref: (i, 0, 0)),
            pl.BlockSpec((P, WIN, D), lambda i, pref: (i, 0, 0)),
            pl.BlockSpec((1, P, PS, PS), lambda i, pref: (i, 0, 0, 0)),
        ],
        out_specs=pl.BlockSpec((1, P, PS, PS, C),
                               lambda i, pref: (i, 0, 0, 0, 0)),
    )
    return pl.pallas_call(
        _tc_body,
        grid_spec=grid_spec,
        out_shape=jax.ShapeDtypeStruct((B, P, PS, PS, C), jnp.float32),
        compiler_params=pltpu.CompilerParams(
            dimension_semantics=("arbitrary",),
            vmem_limit_bytes=60 * 1024 * 1024),
    )(patches, rows, cols, geo)

# --- scband reference (transcript-rebuilt; emitter-appended) ---
"""Pipeline reference for scband-make-blocks-32521492365666 (READ-ONLY COPY).

The authoritative reference and input builder live on the scoring server;
editing this copy changes nothing except your own understanding.
"""

import jax, jax.numpy as jnp
import numpy as np

B = 32      # num_of_batches
P = 16      # num_of_patches
PS = 32     # patch_size
D = 64      # seq_latent_space
SR = 2048   # size_r
SL = 1024   # size_l


def setup_inputs(seed: int = 0) -> dict:
    key = jax.random.key(seed)
    k1, k2, k3, k4 = jax.random.split(key, 4)
    seq1M = jax.random.normal(k1, (B, SR, D), dtype=jnp.float32)
    seq2M = jax.random.normal(k2, (B, SL, D), dtype=jnp.float32)
    # patch indices must satisfy idx + PS <= SL <= SR for both row and col cuts
    patches = jax.random.randint(k3, (B, P, 2), 0, SL - PS, dtype=jnp.int32)
    geo = jax.random.normal(k4, (B, P, PS, PS), dtype=jnp.float32)
    return {"seq1M": seq1M, "seq2M": seq2M, "patches": patches, "geo": geo}


def reference(seq1M, seq2M, patches, geo):
    # cut_patches: rows[i, p] = seq1M[i, patches[i,p,0] : +PS, :]
    #              cols[i, p] = seq2M[i, patches[i,p,1] : +PS, :]
    off = jnp.arange(PS)
    bidx = jnp.arange(B)[:, None, None]
    row_idx = patches[:, :, 0][:, :, None] + off  # [B, P, PS]
    col_idx = patches[:, :, 1][:, :, None] + off  # [B, P, PS]
    rows = seq1M[bidx, row_idx]  # [B, P, PS, D] gather
    cols = seq2M[bidx, col_idx]  # [B, P, PS, D] gather
    # make_block: block[a, b] = concat(row[b], col[a], geo[a, b])
    row_t = jnp.broadcast_to(rows[:, :, None, :, :], (B, P, PS, PS, D))
    col_t = jnp.broadcast_to(cols[:, :, :, None, :], (B, P, PS, PS, D))
    blocks = jnp.concatenate([row_t, col_t, geo[..., None]], axis=-1)
    # [B, P, PS, PS, 2*D + 1]
    return blocks

if __name__ == "__main__":
    import jax
    _d = setup_inputs()
    print(jax.jit(kernel)(*tuple(_d.values())))

</pallas_src>

<mosaic_0001>
#map = affine_map<(d0) -> (0, 0)>
#map1 = affine_map<(d0) -> (0)>
#map2 = affine_map<(d0) -> (0, 0, 0)>
module attributes {stable_mosaic.version = 14 : i64} {
  func.func @gather_kernel(%arg0: i32, %arg1: memref<65536x64xf32, #tpu.memory_space<hbm>>, %arg2: memref<32768x64xf32, #tpu.memory_space<hbm>>, %arg3: memref<512xi32, #tpu.memory_space<hbm>>, %arg4: memref<512xi32, #tpu.memory_space<hbm>>, %arg5: memref<512x40x64xf32, #tpu.memory_space<hbm>>, %arg6: memref<512x40x64xf32, #tpu.memory_space<hbm>>, %arg7: memref<256xi32, #tpu.memory_space<smem>>, %arg8: memref<256xi32, #tpu.memory_space<smem>>, %arg9: memref<!tpu.dma_semaphore, #tpu.memory_space<semaphore_mem>>, %arg10: memref<!tpu.dma_semaphore, #tpu.memory_space<semaphore_mem>>) attributes {dimension_semantics = [#tpu.dimension_semantics<core_parallel>], iteration_bounds = array<i64: 2>, scalar_prefetch = 0 : i64, scratch_operands = 4 : i64, tpu.core_type = #tpu.core_type<sc_scalar_subcore>, window_params = [{transform_indices = #map}, {transform_indices = #map}, {transform_indices = #map1}, {transform_indices = #map1}, {transform_indices = #map2}, {transform_indices = #map2}]} {
    %mul3A = arith.constant 256 : i32
    %mul3A_0 = arith.muli %arg0, %mul3A : i32
    %dma_start3A = tpu.memref_slice %arg3[%mul3A_0] : memref<512xi32, #tpu.memory_space<hbm>> -> memref<256xi32, #tpu.memory_space<hbm>>
    tpu.enqueue_dma source(%dma_start3A : memref<256xi32, #tpu.memory_space<hbm>>) target(%arg7 : memref<256xi32, #tpu.memory_space<smem>>) target_semaphore(%arg9 : memref<!tpu.dma_semaphore, #tpu.memory_space<semaphore_mem>>)
    %dma_wait3A = tpu.memref_slice %arg3[%mul3A_0] : memref<512xi32, #tpu.memory_space<hbm>> -> memref<256xi32, #tpu.memory_space<hbm>>
    tpu.wait_dma2 semaphore(%arg9 : memref<!tpu.dma_semaphore, #tpu.memory_space<semaphore_mem>>) src(%dma_wait3A : memref<256xi32, #tpu.memory_space<hbm>>) dst(%arg7 : memref<256xi32, #tpu.memory_space<smem>>)
    %dma_start3A_1 = tpu.memref_slice %arg4[%mul3A_0] : memref<512xi32, #tpu.memory_space<hbm>> -> memref<256xi32, #tpu.memory_space<hbm>>
    tpu.enqueue_dma source(%dma_start3A_1 : memref<256xi32, #tpu.memory_space<hbm>>) target(%arg8 : memref<256xi32, #tpu.memory_space<smem>>) target_semaphore(%arg10 : memref<!tpu.dma_semaphore, #tpu.memory_space<semaphore_mem>>)
    %dma_wait3A_2 = tpu.memref_slice %arg4[%mul3A_0] : memref<512xi32, #tpu.memory_space<hbm>> -> memref<256xi32, #tpu.memory_space<hbm>>
    tpu.wait_dma2 semaphore(%arg10 : memref<!tpu.dma_semaphore, #tpu.memory_space<semaphore_mem>>) src(%dma_wait3A_2 : memref<256xi32, #tpu.memory_space<hbm>>) dst(%arg8 : memref<256xi32, #tpu.memory_space<smem>>)
    %scan3A = arith.constant 0 : i32
    %scan3A_3 = arith.constant 256 : i32
    %scan3A_4 = arith.addi %scan3A, %scan3A_3 : i32
    %scan3A_5 = arith.constant 1 : i32
    scf.for %scan3A_19 = %scan3A to %scan3A_4 step %scan3A_5  : i32 {
      %mul3A_20 = arith.constant 1 : i32
      %mul3A_21 = arith.muli %scan3A_19, %mul3A_20 : i32
      %add3A = arith.constant 0 : i32
      %add3A_22 = arith.addi %add3A, %mul3A_21 : i32
      %get3A = arith.index_cast %add3A_22 : i32 to index
      %get3A_23 = memref.load %arg7[%get3A] : memref<256xi32, #tpu.memory_space<smem>>
      %multiple_of3A = tpu.assume_multiple %get3A_23, 8 : i32
      %get3A_24 = arith.index_cast %add3A_22 : i32 to index
      %get3A_25 = memref.load %arg8[%get3A_24] : memref<256xi32, #tpu.memory_space<smem>>
      %multiple_of3A_26 = tpu.assume_multiple %get3A_25, 8 : i32
      %add3A_27 = arith.addi %mul3A_0, %add3A_22 : i32
      %dma_start3A_28 = arith.constant 0 : i32
      %dma_start3A_29 = arith.constant 0 : i32
      %dma_start3A_30 = tpu.memref_slice %arg5[%add3A_27, %dma_start3A_28, %dma_start3A_29] : memref<512x40x64xf32, #tpu.memory_space<hbm>> -> memref<1x40x64xf32, #tpu.memory_space<hbm>>
      %dma_start3A_31 = tpu.memref_squeeze %dma_start3A_30 : memref<1x40x64xf32, #tpu.memory_space<hbm>> -> memref<40x64xf32, #tpu.memory_space<hbm>>
      %dma_start3A_32 = arith.constant 0 : i32
      %dma_start3A_33 = tpu.memref_slice %arg1[%multiple_of3A, %dma_start3A_32] : memref<65536x64xf32, #tpu.memory_space<hbm>> -> memref<40x64xf32, #tpu.memory_space<hbm>>
      tpu.enqueue_dma source(%dma_start3A_33 : memref<40x64xf32, #tpu.memory_space<hbm>>) target(%dma_start3A_31 : memref<40x64xf32, #tpu.memory_space<hbm>>) target_semaphore(%arg9 : memref<!tpu.dma_semaphore, #tpu.memory_space<semaphore_mem>>)
      %add3A_34 = arith.addi %mul3A_0, %add3A_22 : i32
      %dma_start3A_35 = arith.constant 0 : i32
      %dma_start3A_36 = arith.constant 0 : i32
      %dma_start3A_37 = tpu.memref_slice %arg6[%add3A_34, %dma_start3A_35, %dma_start3A_36] : memref<512x40x64xf32, #tpu.memory_space<hbm>> -> memref<1x40x64xf32, #tpu.memory_space<hbm>>
      %dma_start3A_38 = tpu.memref_squeeze %dma_start3A_37 : memref<1x40x64xf32, #tpu.memory_space<hbm>> -> memref<40x64xf32, #tpu.memory_space<hbm>>
      %dma_start3A_39 = arith.constant 0 : i32
      %dma_start3A_40 = tpu.memref_slice %arg2[%multiple_of3A_26, %dma_start3A_39] : memref<32768x64xf32, #tpu.memory_space<hbm>> -> memref<40x64xf32, #tpu.memory_space<hbm>>
      tpu.enqueue_dma source(%dma_start3A_40 : memref<40x64xf32, #tpu.memory_space<hbm>>) target(%dma_start3A_38 : memref<40x64xf32, #tpu.memory_space<hbm>>) target_semaphore(%arg10 : memref<!tpu.dma_semaphore, #tpu.memory_space<semaphore_mem>>)
    }
    %scan3A_6 = arith.constant 256 : i32
    %dma_wait3A_7 = arith.constant 0 : i32
    %dma_wait3A_8 = arith.constant 0 : i32
    %dma_wait3A_9 = tpu.memref_slice %arg5[%mul3A_0, %dma_wait3A_7, %dma_wait3A_8] : memref<512x40x64xf32, #tpu.memory_space<hbm>> -> memref<256x40x64xf32, #tpu.memory_space<hbm>>
    %dma_wait3A_10 = arith.constant 0 : i32
    %dma_wait3A_11 = arith.constant 0 : i32
    %dma_wait3A_12 = tpu.memref_slice %arg5[%mul3A_0, %dma_wait3A_10, %dma_wait3A_11] : memref<512x40x64xf32, #tpu.memory_space<hbm>> -> memref<256x40x64xf32, #tpu.memory_space<hbm>>
    tpu.wait_dma2 semaphore(%arg9 : memref<!tpu.dma_semaphore, #tpu.memory_space<semaphore_mem>>) src(%dma_wait3A_12 : memref<256x40x64xf32, #tpu.memory_space<hbm>>) dst(%dma_wait3A_9 : memref<256x40x64xf32, #tpu.memory_space<hbm>>)
    %dma_wait3A_13 = arith.constant 0 : i32
    %dma_wait3A_14 = arith.constant 0 : i32
    %dma_wait3A_15 = tpu.memref_slice %arg6[%mul3A_0, %dma_wait3A_13, %dma_wait3A_14] : memref<512x40x64xf32, #tpu.memory_space<hbm>> -> memref<256x40x64xf32, #tpu.memory_space<hbm>>
    %dma_wait3A_16 = arith.constant 0 : i32
    %dma_wait3A_17 = arith.constant 0 : i32
    %dma_wait3A_18 = tpu.memref_slice %arg6[%mul3A_0, %dma_wait3A_16, %dma_wait3A_17] : memref<512x40x64xf32, #tpu.memory_space<hbm>> -> memref<256x40x64xf32, #tpu.memory_space<hbm>>
    tpu.wait_dma2 semaphore(%arg10 : memref<!tpu.dma_semaphore, #tpu.memory_space<semaphore_mem>>) src(%dma_wait3A_18 : memref<256x40x64xf32, #tpu.memory_space<hbm>>) dst(%dma_wait3A_15 : memref<256x40x64xf32, #tpu.memory_space<hbm>>)
    return
  }
}

module attributes {stable_mosaic.version = 14 : i64} {
  func.func @_tc_body(%arg0: i32, %arg1: memref<32x16x2xi32, #tpu.memory_space<smem>>, %arg2: memref<16x40x64xf32, #tpu.memory_space<vmem>>, %arg3: memref<16x40x64xf32, #tpu.memory_space<vmem>>, %arg4: memref<1x16x32x32xf32, #tpu.memory_space<vmem>>, %arg5: memref<1x16x32x32x129xf32, #tpu.memory_space<vmem>>) attributes {dimension_semantics = [#tpu.dimension_semantics<arbitrary>], iteration_bounds = array<i64: 32>, scalar_prefetch = 1 : i64, scratch_operands = 0 : i64, tpu.core_type = #tpu.core_type<tc>, window_params = [{transform_indices = @transform_0, window_bounds = array<i64: 16, 40, 64>}, {transform_indices = @transform_1, window_bounds = array<i64: 16, 40, 64>}, {transform_indices = @transform_2, window_bounds = array<i64: 1, 16, 32, 32>}, {transform_indices = @transform_3, window_bounds = array<i64: 1, 16, 32, 32, 129>}]} {
    %get3A = arith.index_cast %arg0 : i32 to index
    %get3A_0 = arith.constant 0 : index
    %get3A_1 = arith.constant 0 : index
    %get3A_2 = memref.load %arg1[%get3A, %get3A_0, %get3A_1] : memref<32x16x2xi32, #tpu.memory_space<smem>>
    %jit3A = arith.constant 8 : i32
    %eq3A = arith.constant 0 : i32
    %eq3A_3 = arith.cmpi eq, %jit3A, %eq3A : i32
    %jit3A_4 = arith.constant 1 : i32
    %select_n3A = arith.select %eq3A_3, %jit3A_4, %jit3A : i32
    %rem3A = arith.remsi %get3A_2, %select_n3A : i32
    %ne3A = arith.constant 0 : i32
    %ne3A_5 = arith.cmpi ne, %rem3A, %ne3A : i32
    %lt3A = arith.constant 0 : i32
    %lt3A_6 = arith.cmpi slt, %rem3A, %lt3A : i32
    %lt3A_7 = arith.constant 0 : i32
    %lt3A_8 = arith.cmpi slt, %select_n3A, %lt3A_7 : i32
    %ne3A_9 = arith.xori %lt3A_6, %lt3A_8 : i1
    %and3A = arith.andi %ne3A_9, %ne3A_5 : i1
    %add3A = arith.addi %rem3A, %select_n3A : i32
    %select_n3A_10 = arith.select %and3A, %add3A, %rem3A : i32
    %get3A_11 = arith.index_cast %arg0 : i32 to index
    %get3A_12 = arith.constant 0 : index
    %get3A_13 = arith.constant 1 : index
    %get3A_14 = memref.load %arg1[%get3A_11, %get3A_12, %get3A_13] : memref<32x16x2xi32, #tpu.memory_space<smem>>
    %jit3A_15 = arith.constant 8 : i32
    %eq3A_16 = arith.constant 0 : i32
    %eq3A_17 = arith.cmpi eq, %jit3A_15, %eq3A_16 : i32
    %jit3A_18 = arith.constant 1 : i32
    %select_n3A_19 = arith.select %eq3A_17, %jit3A_18, %jit3A_15 : i32
    %rem3A_20 = arith.remsi %get3A_14, %select_n3A_19 : i32
    %ne3A_21 = arith.constant 0 : i32
    %ne3A_22 = arith.cmpi ne, %rem3A_20, %ne3A_21 : i32
    %lt3A_23 = arith.constant 0 : i32
    %lt3A_24 = arith.cmpi slt, %rem3A_20, %lt3A_23 : i32
    %lt3A_25 = arith.constant 0 : i32
    %lt3A_26 = arith.cmpi slt, %select_n3A_19, %lt3A_25 : i32
    %ne3A_27 = arith.xori %lt3A_24, %lt3A_26 : i1
    %and3A_28 = arith.andi %ne3A_27, %ne3A_22 : i1
    %add3A_29 = arith.addi %rem3A_20, %select_n3A_19 : i32
    %select_n3A_30 = arith.select %and3A_28, %add3A_29, %rem3A_20 : i32
    %get3A_31 = arith.constant 0 : index
    %get3A_32 = arith.index_cast %select_n3A_10 : i32 to index
    %get3A_33 = arith.constant 0 : index
    %get3A_34 = vector.load %arg2[%get3A_31, %get3A_32, %get3A_33] : memref<16x40x64xf32, #tpu.memory_space<vmem>>, vector<1x32x64xf32>
    %get3A_35 = vector.shape_cast %get3A_34 : vector<1x32x64xf32> to vector<32x64xf32>
    %get3A_36 = arith.constant 0 : index
    %get3A_37 = arith.index_cast %select_n3A_30 : i32 to index
    %get3A_38 = arith.constant 0 : index
    %get3A_39 = vector.load %arg3[%get3A_36, %get3A_37, %get3A_38] : memref<16x40x64xf32, #tpu.memory_space<vmem>>, vector<1x32x64xf32>
    %get3A_40 = vector.shape_cast %get3A_39 : vector<1x32x64xf32> to vector<32x64xf32>
    %broadcast_in_dim3A = vector.shape_cast %get3A_35 : vector<32x64xf32> to vector<1x32x64xf32>
    %broadcast_in_dim3A_41 = vector.shape_cast %broadcast_in_dim3A : vector<1x32x64xf32> to vector<1x32x64xf32>
    %broadcast_in_dim3A_42 = vector.broadcast %broadcast_in_dim3A_41 : vector<1x32x64xf32> to vector<32x32x64xf32>
    %broadcast_in_dim3A_43 = vector.shape_cast %get3A_40 : vector<32x64xf32> to vector<32x1x64xf32>
    %broadcast_in_dim3A_44 = vector.shape_cast %broadcast_in_dim3A_43 : vector<32x1x64xf32> to vector<32x1x64xf32>
    %broadcast_in_dim3A_45 = vector.broadcast %broadcast_in_dim3A_44 : vector<32x1x64xf32> to vector<32x32x64xf32>
    %concatenate3A = tpu.concatenate %broadcast_in_dim3A_42, %broadcast_in_dim3A_45 in 2 : vector<32x32x64xf32>, vector<32x32x64xf32> -> vector<32x32x128xf32>
    %swap3A = arith.constant 0 : index
    %swap3A_46 = arith.constant 0 : index
    %swap3A_47 = arith.constant 0 : index
    %swap3A_48 = arith.constant 0 : index
    %swap3A_49 = arith.constant 0 : index
    %swap3A_50 = vector.load %arg5[%swap3A, %swap3A_46, %swap3A_47, %swap3A_48, %swap3A_49] : memref<1x16x32x32x129xf32, #tpu.memory_space<vmem>>, vector<1x1x32x32x128xf32>
    %swap3A_51 = vector.shape_cast %swap3A_50 : vector<1x1x32x32x128xf32> to vector<32x32x128xf32>
    %swap3A_52 = vector.shape_cast %concatenate3A : vector<32x32x128xf32> to vector<1x1x32x32x128xf32>
    tpu.vector_store %arg5[%swap3A, %swap3A_46, %swap3A_47, %swap3A_48, %swap3A_49], %swap3A_52 {strides = array<i32>} : memref<1x16x32x32x129xf32, #tpu.memory_space<vmem>>, vector<1x1x32x32x128xf32>,
    %get3A_53 = arith.constant 0 : index
    %get3A_54 = arith.constant 0 : index
    %get3A_55 = arith.constant 0 : index
    %get3A_56 = arith.constant 0 : index
    %get3A_57 = vector.load %arg4[%get3A_53, %get3A_54, %get3A_55, %get3A_56] : memref<1x16x32x32xf32, #tpu.memory_space<vmem>>, vector<1x1x32x32xf32>
    %get3A_58 = vector.shape_cast %get3A_57 : vector<1x1x32x32xf32> to vector<32x32xf32>
    %broadcast_in_dim3A_59 = vector.shape_cast %get3A_58 : vector<32x32xf32> to vector<32x32x1xf32>
    %swap3A_60 = arith.constant 0 : index
    %swap3A_61 = arith.constant 0 : index
    %swap3A_62 = arith.constant 0 : index
    %swap3A_63 = arith.constant 0 : index
    %swap3A_64 = arith.constant 128 : index
    %swap3A_65 = vector.load %arg5[%swap3A_60, %swap3A_61, %swap3A_62, %swap3A_63, %swap3A_64] : memref<1x16x32x32x129xf32, #tpu.memory_space<vmem>>, vector<1x1x32x32x1xf32>
    %swap3A_66 = vector.shape_cast %swap3A_65 : vector<1x1x32x32x1xf32> to vector<32x32x1xf32>
    %swap3A_67 = vector.shape_cast %broadcast_in_dim3A_59 : vector<32x32x1xf32> to vector<1x1x32x32x1xf32>
    tpu.vector_store %arg5[%swap3A_60, %swap3A_61, %swap3A_62, %swap3A_63, %swap3A_64], %swap3A_67 {strides = array<i32>} : memref<1x16x32x32x129xf32, #tpu.memory_space<vmem>>, vector<1x1x32x32x1xf32>,
    %get3A_68 = arith.index_cast %arg0 : i32 to index
    %get3A_69 = arith.constant 1 : index
    %get3A_70 = arith.constant 0 : index
    %get3A_71 = memref.load %arg1[%get3A_68, %get3A_69, %get3A_70] : memref<32x16x2xi32, #tpu.memory_space<smem>>
    %jit3A_72 = arith.constant 8 : i32
    %eq3A_73 = arith.constant 0 : i32
    %eq3A_74 = arith.cmpi eq, %jit3A_72, %eq3A_73 : i32
    %jit3A_75 = arith.constant 1 : i32
    %select_n3A_76 = arith.select %eq3A_74, %jit3A_75, %jit3A_72 : i32
    %rem3A_77 = arith.remsi %get3A_71, %select_n3A_76 : i32
    %ne3A_78 = arith.constant 0 : i32
    %ne3A_79 = arith.cmpi ne, %rem3A_77, %ne3A_78 : i32
    %lt3A_80 = arith.constant 0 : i32
    %lt3A_81 = arith.cmpi slt, %rem3A_77, %lt3A_80 : i32
    %lt3A_82 = arith.constant 0 : i32
    %lt3A_83 = arith.cmpi slt, %select_n3A_76, %lt3A_82 : i32
    %ne3A_84 = arith.xori %lt3A_81, %lt3A_83 : i1
    %and3A_85 = arith.andi %ne3A_84, %ne3A_79 : i1
    %add3A_86 = arith.addi %rem3A_77, %select_n3A_76 : i32
    %select_n3A_87 = arith.select %and3A_85, %add3A_86, %rem3A_77 : i32
    %get3A_88 = arith.index_cast %arg0 : i32 to index
    %get3A_89 = arith.constant 1 : index
    %get3A_90 = arith.constant 1 : index
    %get3A_91 = memref.load %arg1[%get3A_88, %get3A_89, %get3A_90] : memref<32x16x2xi32, #tpu.memory_space<smem>>
    %jit3A_92 = arith.constant 8 : i32
    %eq3A_93 = arith.constant 0 : i32
    %eq3A_94 = arith.cmpi eq, %jit3A_92, %eq3A_93 : i32
    %jit3A_95 = arith.constant 1 : i32
    %select_n3A_96 = arith.select %eq3A_94, %jit3A_95, %jit3A_92 : i32
    %rem3A_97 = arith.remsi %get3A_91, %select_n3A_96 : i32
    %ne3A_98 = arith.constant 0 : i32
    %ne3A_99 = arith.cmpi ne, %rem3A_97, %ne3A_98 : i32
    %lt3A_100 = arith.constant 0 : i32
    %lt3A_101 = arith.cmpi slt, %rem3A_97, %lt3A_100 : i32
    %lt3A_102 = arith.constant 0 : i32
    %lt3A_103 = arith.cmpi slt, %select_n3A_96, %lt3A_102 : i32
    %ne3A_104 = arith.xori %lt3A_101, %lt3A_103 : i1
    %and3A_105 = arith.andi %ne3A_104, %ne3A_99 : i1
    %add3A_106 = arith.addi %rem3A_97, %select_n3A_96 : i32
    %select_n3A_107 = arith.select %and3A_105, %add3A_106, %rem3A_97 : i32
    %get3A_108 = arith.constant 1 : index
    %get3A_109 = arith.index_cast %select_n3A_87 : i32 to index
    %get3A_110 = arith.constant 0 : index
    %get3A_111 = vector.load %arg2[%get3A_108, %get3A_109, %get3A_110] : memref<16x40x64xf32, #tpu.memory_space<vmem>>, vector<1x32x64xf32>
    %get3A_112 = vector.shape_cast %get3A_111 : vector<1x32x64xf32> to vector<32x64xf32>
    %get3A_113 = arith.constant 1 : index
    %get3A_114 = arith.index_cast %select_n3A_107 : i32 to index
    %get3A_115 = arith.constant 0 : index
    %get3A_116 = vector.load %arg3[%get3A_113, %get3A_114, %get3A_115] : memref<16x40x64xf32, #tpu.memory_space<vmem>>, vector<1x32x64xf32>
    %get3A_117 = vector.shape_cast %get3A_116 : vector<1x32x64xf32> to vector<32x64xf32>
    %broadcast_in_dim3A_118 = vector.shape_cast %get3A_112 : vector<32x64xf32> to vector<1x32x64xf32>
    %broadcast_in_dim3A_119 = vector.shape_cast %broadcast_in_dim3A_118 : vector<1x32x64xf32> to vector<1x32x64xf32>
    %broadcast_in_dim3A_120 = vector.broadcast %broadcast_in_dim3A_119 : vector<1x32x64xf32> to vector<32x32x64xf32>
    %broadcast_in_dim3A_121 = vector.shape_cast %get3A_117 : vector<32x64xf32> to vector<32x1x64xf32>
    %broadcast_in_dim3A_122 = vector.shape_cast %broadcast_in_dim3A_121 : vector<32x1x64xf32> to vector<32x1x64xf32>
    %broadcast_in_dim3A_123 = vector.broadcast %broadcast_in_dim3A_122 : vector<32x1x64xf32> to vector<32x32x64xf32>
    %concatenate3A_124 = tpu.concatenate %broadcast_in_dim3A_120, %broadcast_in_dim3A_123 in 2 : vector<32x32x64xf32>, vector<32x32x64xf32> -> vector<32x32x128xf32>
    %swap3A_125 = arith.constant 0 : index
    %swap3A_126 = arith.constant 1 : index
    %swap3A_127 = arith.constant 0 : index
    %swap3A_128 = arith.constant 0 : index
    %swap3A_129 = arith.constant 0 : index
    %swap3A_130 = vector.load %arg5[%swap3A_125, %swap3A_126, %swap3A_127, %swap3A_128, %swap3A_129] : memref<1x16x32x32x129xf32, #tpu.memory_space<vmem>>, vector<1x1x32x32x128xf32>
    %swap3A_131 = vector.shape_cast %swap3A_130 : vector<1x1x32x32x128xf32> to vector<32x32x128xf32>
    %swap3A_132 = vector.shape_cast %concatenate3A_124 : vector<32x32x128xf32> to vector<1x1x32x32x128xf32>
    tpu.vector_store %arg5[%swap3A_125, %swap3A_126, %swap3A_127, %swap3A_128, %swap3A_129], %swap3A_132 {strides = array<i32>} : memref<1x16x32x32x129xf32, #tpu.memory_space<vmem>>, vector<1x1x32x32x128xf32>,
    %get3A_133 = arith.constant 0 : index
    %get3A_134 = arith.constant 1 : index
    %get3A_135 = arith.constant 0 : index
    %get3A_136 = arith.constant 0 : index
    %get3A_137 = vector.load %arg4[%get3A_133, %get3A_134, %get3A_135, %get3A_136] : memref<1x16x32x32xf32, #tpu.memory_space<vmem>>, vector<1x1x32x32xf32>
    %get3A_138 = vector.shape_cast %get3A_137 : vector<1x1x32x32xf32> to vector<32x32xf32>
    %broadcast_in_dim3A_139 = vector.shape_cast %get3A_138 : vector<32x32xf32> to vector<32x32x1xf32>
    %swap3A_140 = arith.constant 0 : index
    %swap3A_141 = arith.constant 1 : index
    %swap3A_142 = arith.constant 0 : index
    %swap3A_143 = arith.constant 0 : index
    %swap3A_144 = arith.constant 128 : index
    %swap3A_145 = vector.load %arg5[%swap3A_140, %swap3A_141, %swap3A_142, %swap3A_143, %swap3A_144] : memref<1x16x32x32x129xf32, #tpu.memory_space<vmem>>, vector<1x1x32x32x1xf32>
    %swap3A_146 = vector.shape_cast %swap3A_145 : vector<1x1x32x32x1xf32> to vector<32x32x1xf32>
    %swap3A_147 = vector.shape_cast %broadcast_in_dim3A_139 : vector<32x32x1xf32> to vector<1x1x32x32x1xf32>
    tpu.vector_store %arg5[%swap3A_140, %swap3A_141, %swap3A_142, %swap3A_143, %swap3A_144], %swap3A_147 {strides = array<i32>} : memref<1x16x32x32x129xf32, #tpu.memory_space<vmem>>, vector<1x1x32x32x1xf32>,
    %get3A_148 = arith.index_cast %arg0 : i32 to index
    %get3A_149 = arith.constant 2 : index
    %get3A_150 = arith.constant 0 : index
    %get3A_151 = memref.load %arg1[%get3A_148, %get3A_149, %get3A_150] : memref<32x16x2xi32, #tpu.memory_space<smem>>
    %jit3A_152 = arith.constant 8 : i32
    %eq3A_153 = arith.constant 0 : i32
    %eq3A_154 = arith.cmpi eq, %jit3A_152, %eq3A_153 : i32
    %jit3A_155 = arith.constant 1 : i32
    %select_n3A_156 = arith.select %eq3A_154, %jit3A_155, %jit3A_152 : i32
    %rem3A_157 = arith.remsi %get3A_151, %select_n3A_156 : i32
    %ne3A_158 = arith.constant 0 : i32
    %ne3A_159 = arith.cmpi ne, %rem3A_157, %ne3A_158 : i32
    %lt3A_160 = arith.constant 0 : i32
    %lt3A_161 = arith.cmpi slt, %rem3A_157, %lt3A_160 : i32
    %lt3A_162 = arith.constant 0 : i32
    %lt3A_163 = arith.cmpi slt, %select_n3A_156, %lt3A_162 : i32
    %ne3A_164 = arith.xori %lt3A_161, %lt3A_163 : i1
    %and3A_165 = arith.andi %ne3A_164, %ne3A_159 : i1
    %add3A_166 = arith.addi %rem3A_157, %select_n3A_156 : i32
    %select_n3A_167 = arith.select %and3A_165, %add3A_166, %rem3A_157 : i32
    %get3A_168 = arith.index_cast %arg0 : i32 to index
    %get3A_169 = arith.constant 2 : index
    %get3A_170 = arith.constant 1 : index
    %get3A_171 = memref.load %arg1[%get3A_168, %get3A_169, %get3A_170] : memref<32x16x2xi32, #tpu.memory_space<smem>>
    %jit3A_172 = arith.constant 8 : i32
    %eq3A_173 = arith.constant 0 : i32
    %eq3A_174 = arith.cmpi eq, %jit3A_172, %eq3A_173 : i32
    %jit3A_175 = arith.constant 1 : i32
    %select_n3A_176 = arith.select %eq3A_174, %jit3A_175, %jit3A_172 : i32
    %rem3A_177 = arith.remsi %get3A_171, %select_n3A_176 : i32
    %ne3A_178 = arith.constant 0 : i32
    %ne3A_179 = arith.cmpi ne, %rem3A_177, %ne3A_178 : i32
    %lt3A_180 = arith.constant 0 : i32
    %lt3A_181 = arith.cmpi slt, %rem3A_177, %lt3A_180 : i32
    %lt3A_182 = arith.constant 0 : i32
    %lt3A_183 = arith.cmpi slt, %select_n3A_176, %lt3A_182 : i32
    %ne3A_184 = arith.xori %lt3A_181, %lt3A_183 : i1
    %and3A_185 = arith.andi %ne3A_184, %ne3A_179 : i1
    %add3A_186 = arith.addi %rem3A_177, %select_n3A_176 : i32
    %select_n3A_187 = arith.select %and3A_185, %add3A_186, %rem3A_177 : i32
    %get3A_188 = arith.constant 2 : index
    %get3A_189 = arith.index_cast %select_n3A_167 : i32 to index
    %get3A_190 = arith.constant 0 : index
    %get3A_191 = vector.load %arg2[%get3A_188, %get3A_189, %get3A_190] : memref<16x40x64xf32, #tpu.memory_space<vmem>>, vector<1x32x64xf32>
    %get3A_192 = vector.shape_cast %get3A_191 : vector<1x32x64xf32> to vector<32x64xf32>
    %get3A_193 = arith.constant 2 : index
    %get3A_194 = arith.index_cast %select_n3A_187 : i32 to index
    %get3A_195 = arith.constant 0 : index
    %get3A_196 = vector.load %arg3[%get3A_193, %get3A_194, %get3A_195] : memref<16x40x64xf32, #tpu.memory_space<vmem>>, vector<1x32x64xf32>
    %get3A_197 = vector.shape_cast %get3A_196 : vector<1x32x64xf32> to vector<32x64xf32>
    %broadcast_in_dim3A_198 = vector.shape_cast %get3A_192 : vector<32x64xf32> to vector<1x32x64xf32>
    %broadcast_in_dim3A_199 = vector.shape_cast %broadcast_in_dim3A_198 : vector<1x32x64xf32> to vector<1x32x64xf32>
    %broadcast_in_dim3A_200 = vector.broadcast %broadcast_in_dim3A_199 : vector<1x32x64xf32> to vector<32x32x64xf32>
    %broadcast_in_dim3A_201 = vector.shape_cast %get3A_197 : vector<32x64xf32> to vector<32x1x64xf32>
    %broadcast_in_dim3A_202 = vector.shape_cast %broadcast_in_dim3A_201 : vector<32x1x64xf32> to vector<32x1x64xf32>
    %broadcast_in_dim3A_203 = vector.broadcast %broadcast_in_dim3A_202 : vector<32x1x64xf32> to vector<32x32x64xf32>
    %concatenate3A_204 = tpu.concatenate %broadcast_in_dim3A_200, %broadcast_in_dim3A_203 in 2 : vector<32x32x64xf32>, vector<32x32x64xf32> -> vector<32x32x128xf32>
    %swap3A_205 = arith.constant 0 : index
    %swap3A_206 = arith.constant 2 : index
    %swap3A_207 = arith.constant 0 : index
    %swap3A_208 = arith.constant 0 : index
    %swap3A_209 = arith.constant 0 : index
    %swap3A_210 = vector.load %arg5[%swap3A_205, %swap3A_206, %swap3A_207, %swap3A_208, %swap3A_209] : memref<1x16x32x32x129xf32, #tpu.memory_space<vmem>>, vector<1x1x32x32x128xf32>
    %swap3A_211 = vector.shape_cast %swap3A_210 : vector<1x1x32x32x128xf32> to vector<32x32x128xf32>
    %swap3A_212 = vector.shape_cast %concatenate3A_204 : vector<32x32x128xf32> to vector<1x1x32x32x128xf32>
    tpu.vector_store %arg5[%swap3A_205, %swap3A_206, %swap3A_207, %swap3A_208, %swap3A_209], %swap3A_212 {strides = array<i32>} : memref<1x16x32x32x129xf32, #tpu.memory_space<vmem>>, vector<1x1x32x32x128xf32>,
    %get3A_213 = arith.constant 0 : index
    %get3A_214 = arith.constant 2 : index
    %get3A_215 = arith.constant 0 : index
    %get3A_216 = arith.constant 0 : index
    %get3A_217 = vector.load %arg4[%get3A_213, %get3A_214, %get3A_215, %get3A_216] : memref<1x16x32x32xf32, #tpu.memory_space<vmem>>, vector<1x1x32x32xf32>
    %get3A_218 = vector.shape_cast %get3A_217 : vector<1x1x32x32xf32> to vector<32x32xf32>
    %broadcast_in_dim3A_219 = vector.shape_cast %get3A_218 : vector<32x32xf32> to vector<32x32x1xf32>
    %swap3A_220 = arith.constant 0 : index
    %swap3A_221 = arith.constant 2 : index
    %swap3A_222 = arith.constant 0 : index
    %swap3A_223 = arith.constant 0 : index
    %swap3A_224 = arith.constant 128 : index
    %swap3A_225 = vector.load %arg5[%swap3A_220, %swap3A_221, %swap3A_222, %swap3A_223, %swap3A_224] : memref<1x16x32x32x129xf32, #tpu.memory_space<vmem>>, vector<1x1x32x32x1xf32>
    %swap3A_226 = vector.shape_cast %swap3A_225 : vector<1x1x32x32x1xf32> to vector<32x32x1xf32>
    %swap3A_227 = vector.shape_cast %broadcast_in_dim3A_219 : vector<32x32x1xf32> to vector<1x1x32x32x1xf32>
    tpu.vector_store %arg5[%swap3A_220, %swap3A_221, %swap3A_222, %swap3A_223, %swap3A_224], %swap3A_227 {strides = array<i32>} : memref<1x16x32x32x129xf32, #tpu.memory_space<vmem>>, vector<1x1x32x32x1xf32>,
    %get3A_228 = arith.index_cast %arg0 : i32 to index
    %get3A_229 = arith.constant 3 : index
    %get3A_230 = arith.constant 0 : index
    %get3A_231 = memref.load %arg1[%get3A_228, %get3A_229, %get3A_230] : memref<32x16x2xi32, #tpu.memory_space<smem>>
    %jit3A_232 = arith.constant 8 : i32
    %eq3A_233 = arith.constant 0 : i32
    %eq3A_234 = arith.cmpi eq, %jit3A_232, %eq3A_233 : i32
    %jit3A_235 = arith.constant 1 : i32
    %select_n3A_236 = arith.select %eq3A_234, %jit3A_235, %jit3A_232 : i32
    %rem3A_237 = arith.remsi %get3A_231, %select_n3A_236 : i32
    %ne3A_238 = arith.constant 0 : i32
    %ne3A_239 = arith.cmpi ne, %rem3A_237, %ne3A_238 : i32
    %lt3A_240 = arith.constant 0 : i32
    %lt3A_241 = arith.cmpi slt, %rem3A_237, %lt3A_240 : i32
    %lt3A_242 = arith.constant 0 : i32
    %lt3A_243 = arith.cmpi slt, %select_n3A_236, %lt3A_242 : i32
    %ne3A_244 = arith.xori %lt3A_241, %lt3A_243 : i1
    %and3A_245 = arith.andi %ne3A_244, %ne3A_239 : i1
    %add3A_246 = arith.addi %rem3A_237, %select_n3A_236 : i32
    %select_n3A_247 = arith.select %and3A_245, %add3A_246, %rem3A_237 : i32
    %get3A_248 = arith.index_cast %arg0 : i32 to index
    %get3A_249 = arith.constant 3 : index
    %get3A_250 = arith.constant 1 : index
    %get3A_251 = memref.load %arg1[%get3A_248, %get3A_249, %get3A_250] : memref<32x16x2xi32, #tpu.memory_space<smem>>
    %jit3A_252 = arith.constant 8 : i32
    %eq3A_253 = arith.constant 0 : i32
    %eq3A_254 = arith.cmpi eq, %jit3A_252, %eq3A_253 : i32
    %jit3A_255 = arith.constant 1 : i32
    %select_n3A_256 = arith.select %eq3A_254, %jit3A_255, %jit3A_252 : i32
    %rem3A_257 = arith.remsi %get3A_251, %select_n3A_256 : i32
    %ne3A_258 = arith.constant 0 : i32
    %ne3A_259 = arith.cmpi ne, %rem3A_257, %ne3A_258 : i32
    %lt3A_260 = arith.constant 0 : i32
    %lt3A_261 = arith.cmpi slt, %rem3A_257, %lt3A_260 : i32
    %lt3A_262 = arith.constant 0 : i32
    %lt3A_263 = arith.cmpi slt, %select_n3A_256, %lt3A_262 : i32
    %ne3A_264 = arith.xori %lt3A_261, %lt3A_263 : i1
    %and3A_265 = arith.andi %ne3A_264, %ne3A_259 : i1
    %add3A_266 = arith.addi %rem3A_257, %select_n3A_256 : i32
    %select_n3A_267 = arith.select %and3A_265, %add3A_266, %rem3A_257 : i32
    %get3A_268 = arith.constant 3 : index
    %get3A_269 = arith.index_cast %select_n3A_247 : i32 to index
    %get3A_270 = arith.constant 0 : index
    %get3A_271 = vector.load %arg2[%get3A_268, %get3A_269, %get3A_270] : memref<16x40x64xf32, #tpu.memory_space<vmem>>, vector<1x32x64xf32>
    %get3A_272 = vector.shape_cast %get3A_271 : vector<1x32x64xf32> to vector<32x64xf32>
    %get3A_273 = arith.constant 3 : index
    %get3A_274 = arith.index_cast %select_n3A_267 : i32 to index
    %get3A_275 = arith.constant 0 : index
    %get3A_276 = vector.load %arg3[%get3A_273, %get3A_274, %get3A_275] : memref<16x40x64xf32, #tpu.memory_space<vmem>>, vector<1x32x64xf32>
    %get3A_277 = vector.shape_cast %get3A_276 : vector<1x32x64xf32> to vector<32x64xf32>
    %broadcast_in_dim3A_278 = vector.shape_cast %get3A_272 : vector<32x64xf32> to vector<1x32x64xf32>
    %broadcast_in_dim3A_279 = vector.shape_cast %broadcast_in_dim3A_278 : vector<1x32x64xf32> to vector<1x32x64xf32>
    %broadcast_in_dim3A_280 = vector.broadcast %broadcast_in_dim3A_279 : vector<1x32x64xf32> to vector<32x32x64xf32>
    %broadcast_in_dim3A_281 = vector.shape_cast %get3A_277 : vector<32x64xf32> to vector<32x1x64xf32>
    %broadcast_in_dim3A_282 = vector.shape_cast %broadcast_in_dim3A_281 : vector<32x1x64xf32> to vector<32x1x64xf32>
    %broadcast_in_dim3A_283 = vector.broadcast %broadcast_in_dim3A_282 : vector<32x1x64xf32> to vector<32x32x64xf32>
    %concatenate3A_284 = tpu.concatenate %broadcast_in_dim3A_280, %broadcast_in_dim3A_283 in 2 : vector<32x32x64xf32>, vector<32x32x64xf32> -> vector<32x32x128xf32>
    %swap3A_285 = arith.constant 0 : index
    %swap3A_286 = arith.constant 3 : index
    %swap3A_287 = arith.constant 0 : index
    %swap3A_288 = arith.constant 0 : index
    %swap3A_289 = arith.constant 0 : index
    %swap3A_290 = vector.load %arg5[%swap3A_285, %swap3A_286, %swap3A_287, %swap3A_288, %swap3A_289] : memref<1x16x32x32x129xf32, #tpu.memory_space<vmem>>, vector<1x1x32x32x128xf32>
    %swap3A_291 = vector.shape_cast %swap3A_290 : vector<1x1x32x32x128xf32> to vector<32x32x128xf32>
    %swap3A_292 = vector.shape_cast %concatenate3A_284 : vector<32x32x128xf32> to vector<1x1x32x32x128xf32>
    tpu.vector_store %arg5[%swap3A_285, %swap3A_286, %swap3A_287, %swap3A_288, %swap3A_289], %swap3A_292 {strides = array<i32>} : memref<1x16x32x32x129xf32, #tpu.memory_space<vmem>>, vector<1x1x32x32x128xf32>,
    %get3A_293 = arith.constant 0 : index
    %get3A_294 = arith.constant 3 : index
    %get3A_295 = arith.constant 0 : index
    %get3A_296 = arith.constant 0 : index
    %get3A_297 = vector.load %arg4[%get3A_293, %get3A_294, %get3A_295, %get3A_296] : memref<1x16x32x32xf32, #tpu.memory_space<vmem>>, vector<1x1x32x32xf32>
    %get3A_298 = vector.shape_cast %get3A_297 : vector<1x1x32x32xf32> to vector<32x32xf32>
    %broadcast_in_dim3A_299 = vector.shape_cast %get3A_298 : vector<32x32xf32> to vector<32x32x1xf32>
    %swap3A_300 = arith.constant 0 : index
    %swap3A_301 = arith.constant 3 : index
    %swap3A_302 = arith.constant 0 : index
    %swap3A_303 = arith.constant 0 : index
    %swap3A_304 = arith.constant 128 : index
    %swap3A_305 = vector.load %arg5[%swap3A_300, %swap3A_301, %swap3A_302, %swap3A_303, %swap3A_304] : memref<1x16x32x32x129xf32, #tpu.memory_space<vmem>>, vector<1x1x32x32x1xf32>
    %swap3A_306 = vector.shape_cast %swap3A_305 : vector<1x1x32x32x1xf32> to vector<32x32x1xf32>
    %swap3A_307 = vector.shape_cast %broadcast_in_dim3A_299 : vector<32x32x1xf32> to vector<1x1x32x32x1xf32>
    tpu.vector_store %arg5[%swap3A_300, %swap3A_301, %swap3A_302, %swap3A_303, %swap3A_304], %swap3A_307 {strides = array<i32>} : memref<1x16x32x32x129xf32, #tpu.memory_space<vmem>>, vector<1x1x32x32x1xf32>,
    %get3A_308 = arith.index_cast %arg0 : i32 to index
    %get3A_309 = arith.constant 4 : index
    %get3A_310 = arith.constant 0 : index
    %get3A_311 = memref.load %arg1[%get3A_308, %get3A_309, %get3A_310] : memref<32x16x2xi32, #tpu.memory_space<smem>>
    %jit3A_312 = arith.constant 8 : i32
    %eq3A_313 = arith.constant 0 : i32
    %eq3A_314 = arith.cmpi eq, %jit3A_312, %eq3A_313 : i32
    %jit3A_315 = arith.constant 1 : i32
    %select_n3A_316 = arith.select %eq3A_314, %jit3A_315, %jit3A_312 : i32
    %rem3A_317 = arith.remsi %get3A_311, %select_n3A_316 : i32
    %ne3A_318 = arith.constant 0 : i32
    %ne3A_319 = arith.cmpi ne, %rem3A_317, %ne3A_318 : i32
    %lt3A_320 = arith.constant 0 : i32
    %lt3A_321 = arith.cmpi slt, %rem3A_317, %lt3A_320 : i32
    %lt3A_322 = arith.constant 0 : i32
    %lt3A_323 = arith.cmpi slt, %select_n3A_316, %lt3A_322 : i32
    %ne3A_324 = arith.xori %lt3A_321, %lt3A_323 : i1
    %and3A_325 = arith.andi %ne3A_324, %ne3A_319 : i1
    %add3A_326 = arith.addi %rem3A_317, %select_n3A_316 : i32
    %select_n3A_327 = arith.select %and3A_325, %add3A_326, %rem3A_317 : i32
    %get3A_328 = arith.index_cast %arg0 : i32 to index
    %get3A_329 = arith.constant 4 : index
    %get3A_330 = arith.constant 1 : index
    %get3A_331 = memref.load %arg1[%get3A_328, %get3A_329, %get3A_330] : memref<32x16x2xi32, #tpu.memory_space<smem>>
    %jit3A_332 = arith.constant 8 : i32
    %eq3A_333 = arith.constant 0 : i32
    %eq3A_334 = arith.cmpi eq, %jit3A_332, %eq3A_333 : i32
    %jit3A_335 = arith.constant 1 : i32
    %select_n3A_336 = arith.select %eq3A_334, %jit3A_335, %jit3A_332 : i32
    %rem3A_337 = arith.remsi %get3A_331, %select_n3A_336 : i32
    %ne3A_338 = arith.constant 0 : i32
    %ne3A_339 = arith.cmpi ne, %rem3A_337, %ne3A_338 : i32
    %lt3A_340 = arith.constant 0 : i32
    %lt3A_341 = arith.cmpi slt, %rem3A_337, %lt3A_340 : i32
    %lt3A_342 = arith.constant 0 : i32
    %lt3A_343 = arith.cmpi slt, %select_n3A_336, %lt3A_342 : i32
    %ne3A_344 = arith.xori %lt3A_341, %lt3A_343 : i1
    %and3A_345 = arith.andi %ne3A_344, %ne3A_339 : i1
    %add3A_346 = arith.addi %rem3A_337, %select_n3A_336 : i32
    %select_n3A_347 = arith.select %and3A_345, %add3A_346, %rem3A_337 : i32
    %get3A_348 = arith.constant 4 : index
    %get3A_349 = arith.index_cast %select_n3A_327 : i32 to index
    %get3A_350 = arith.constant 0 : index
    %get3A_351 = vector.load %arg2[%get3A_348, %get3A_349, %get3A_350] : memref<16x40x64xf32, #tpu.memory_space<vmem>>, vector<1x32x64xf32>
    %get3A_352 = vector.shape_cast %get3A_351 : vector<1x32x64xf32> to vector<32x64xf32>
    %get3A_353 = arith.constant 4 : index
    %get3A_354 = arith.index_cast %select_n3A_347 : i32 to index
    %get3A_355 = arith.constant 0 : index
    %get3A_356 = vector.load %arg3[%get3A_353, %get3A_354, %get3A_355] : memref<16x40x64xf32, #tpu.memory_space<vmem>>, vector<1x32x64xf32>
    %get3A_357 = vector.shape_cast %get3A_356 : vector<1x32x64xf32> to vector<32x64xf32>
    %broadcast_in_dim3A_358 = vector.shape_cast %get3A_352 : vector<32x64xf32> to vector<1x32x64xf32>
    %broadcast_in_dim3A_359 = vector.shape_cast %broadcast_in_dim3A_358 : vector<1x32x64xf32> to vector<1x32x64xf32>
    %broadcast_in_dim3A_360 = vector.broadcast %broadcast_in_dim3A_359 : vector<1x32x64xf32> to vector<32x32x64xf32>
    %broadcast_in_dim3A_361 = vector.shape_cast %get3A_357 : vector<32x64xf32> to vector<32x1x64xf32>
    %broadcast_in_dim3A_362 = vector.shape_cast %broadcast_in_dim3A_361 : vector<32x1x64xf32> to vector<32x1x64xf32>
    %broadcast_in_dim3A_363 = vector.broadcast %broadcast_in_dim3A_362 : vector<32x1x64xf32> to vector<32x32x64xf32>
    %concatenate3A_364 = tpu.concatenate %broadcast_in_dim3A_360, %broadcast_in_dim3A_363 in 2 : vector<32x32x64xf32>, vector<32x32x64xf32> -> vector<32x32x128xf32>
    %swap3A_365 = arith.constant 0 : index
    %swap3A_366 = arith.constant 4 : index
    %swap3A_367 = arith.constant 0 : index
    %swap3A_368 = arith.constant 0 : index
    %swap3A_369 = arith.constant 0 : index
    %swap3A_370 = vector.load %arg5[%swap3A_365, %swap3A_366, %swap3A_367, %swap3A_368, %swap3A_369] : memref<1x16x32x32x129xf32, #tpu.memory_space<vmem>>, vector<1x1x32x32x128xf32>
    %swap3A_371 = vector.shape_cast %swap3A_370 : vector<1x1x32x32x128xf32> to vector<32x32x128xf32>
    %swap3A_372 = vector.shape_cast %concatenate3A_364 : vector<32x32x128xf32> to vector<1x1x32x32x128xf32>
    tpu.vector_store %arg5[%swap3A_365, %swap3A_366, %swap3A_367, %swap3A_368, %swap3A_369], %swap3A_372 {strides = array<i32>} : memref<1x16x32x32x129xf32, #tpu.memory_space<vmem>>, vector<1x1x32x32x128xf32>,
    %get3A_373 = arith.constant 0 : index
    %get3A_374 = arith.constant 4 : index
    %get3A_375 = arith.constant 0 : index
    %get3A_376 = arith.constant 0 : index
    %get3A_377 = vector.load %arg4[%get3A_373, %get3A_374, %get3A_375, %get3A_376] : memref<1x16x32x32xf32, #tpu.memory_space<vmem>>, vector<1x1x32x32xf32>
    %get3A_378 = vector.shape_cast %get3A_377 : vector<1x1x32x32xf32> to vector<32x32xf32>
    %broadcast_in_dim3A_379 = vector.shape_cast %get3A_378 : vector<32x32xf32> to vector<32x32x1xf32>
    %swap3A_380 = arith.constant 0 : index
    %swap3A_381 = arith.constant 4 : index
    %swap3A_382 = arith.constant 0 : index
    %swap3A_383 = arith.constant 0 : index
    %swap3A_384 = arith.constant 128 : index
    %swap3A_385 = vector.load %arg5[%swap3A_380, %swap3A_381, %swap3A_382, %swap3A_383, %swap3A_384] : memref<1x16x32x32x129xf32, #tpu.memory_space<vmem>>, vector<1x1x32x32x1xf32>
    %swap3A_386 = vector.shape_cast %swap3A_385 : vector<1x1x32x32x1xf32> to vector<32x32x1xf32>
    %swap3A_387 = vector.shape_cast %broadcast_in_dim3A_379 : vector<32x32x1xf32> to vector<1x1x32x32x1xf32>
    tpu.vector_store %arg5[%swap3A_380, %swap3A_381, %swap3A_382, %swap3A_383, %swap3A_384], %swap3A_387 {strides = array<i32>} : memref<1x16x32x32x129xf32, #tpu.memory_space<vmem>>, vector<1x1x32x32x1xf32>,
    %get3A_388 = arith.index_cast %arg0 : i32 to index
    %get3A_389 = arith.constant 5 : index
    %get3A_390 = arith.constant 0 : index
    %get3A_391 = memref.load %arg1[%get3A_388, %get3A_389, %get3A_390] : memref<32x16x2xi32, #tpu.memory_space<smem>>
    %jit3A_392 = arith.constant 8 : i32
    %eq3A_393 = arith.constant 0 : i32
    %eq3A_394 = arith.cmpi eq, %jit3A_392, %eq3A_393 : i32
    %jit3A_395 = arith.constant 1 : i32
    %select_n3A_396 = arith.select %eq3A_394, %jit3A_395, %jit3A_392 : i32
    %rem3A_397 = arith.remsi %get3A_391, %select_n3A_396 : i32
    %ne3A_398 = arith.constant 0 : i32
    %ne3A_399 = arith.cmpi ne, %rem3A_397, %ne3A_398 : i32
    %lt3A_400 = arith.constant 0 : i32
    %lt3A_401 = arith.cmpi slt, %rem3A_397, %lt3A_400 : i32
    %lt3A_402 = arith.constant 0 : i32
    %lt3A_403 = arith.cmpi slt, %select_n3A_396, %lt3A_402 : i32
    %ne3A_404 = arith.xori %lt3A_401, %lt3A_403 : i1
    %and3A_405 = arith.andi %ne3A_404, %ne3A_399 : i1
    %add3A_406 = arith.addi %rem3A_397, %select_n3A_396 : i32
    %select_n3A_407 = arith.select %and3A_405, %add3A_406, %rem3A_397 : i32
    %get3A_408 = arith.index_cast %arg0 : i32 to index
    %get3A_409 = arith.constant 5 : index
    %get3A_410 = arith.constant 1 : index
    %get3A_411 = memref.load %arg1[%get3A_408, %get3A_409, %get3A_410] : memref<32x16x2xi32, #tpu.memory_space<smem>>
    %jit3A_412 = arith.constant 8 : i32
    %eq3A_413 = arith.constant 0 : i32
    %eq3A_414 = arith.cmpi eq, %jit3A_412, %eq3A_413 : i32
    %jit3A_415 = arith.constant 1 : i32
    %select_n3A_416 = arith.select %eq3A_414, %jit3A_415, %jit3A_412 : i32
    %rem3A_417 = arith.remsi %get3A_411, %select_n3A_416 : i32
    %ne3A_418 = arith.constant 0 : i32
    %ne3A_419 = arith.cmpi ne, %rem3A_417, %ne3A_418 : i32
    %lt3A_420 = arith.constant 0 : i32
    %lt3A_421 = arith.cmpi slt, %rem3A_417, %lt3A_420 : i32
    %lt3A_422 = arith.constant 0 : i32
    %lt3A_423 = arith.cmpi slt, %select_n3A_416, %lt3A_422 : i32
    %ne3A_424 = arith.xori %lt3A_421, %lt3A_423 : i1
    %and3A_425 = arith.andi %ne3A_424, %ne3A_419 : i1
    %add3A_426 = arith.addi %rem3A_417, %select_n3A_416 : i32
    %select_n3A_427 = arith.select %and3A_425, %add3A_426, %rem3A_417 : i32
    %get3A_428 = arith.constant 5 : index
    %get3A_429 = arith.index_cast %select_n3A_407 : i32 to index
    %get3A_430 = arith.constant 0 : index
    %get3A_431 = vector.load %arg2[%get3A_428, %get3A_429, %get3A_430] : memref<16x40x64xf32, #tpu.memory_space<vmem>>, vector<1x32x64xf32>
    %get3A_432 = vector.shape_cast %get3A_431 : vector<1x32x64xf32> to vector<32x64xf32>
    %get3A_433 = arith.constant 5 : index
    %get3A_434 = arith.index_cast %select_n3A_427 : i32 to index
    %get3A_435 = arith.constant 0 : index
    %get3A_436 = vector.load %arg3[%get3A_433, %get3A_434, %get3A_435] : memref<16x40x64xf32, #tpu.memory_space<vmem>>, vector<1x32x64xf32>
    %get3A_437 = vector.shape_cast %get3A_436 : vector<1x32x64xf32> to vector<32x64xf32>
    %broadcast_in_dim3A_438 = vector.shape_cast %get3A_432 : vector<32x64xf32> to vector<1x32x64xf32>
    %broadcast_in_dim3A_439 = vector.shape_cast %broadcast_in_dim3A_438 : vector<1x32x64xf32> to vector<1x32x64xf32>
    %broadcast_in_dim3A_440 = vector.broadcast %broadcast_in_dim3A_439 : vector<1x32x64xf32> to vector<32x32x64xf32>
    %broadcast_in_dim3A_441 = vector.shape_cast %get3A_437 : vector<32x64xf32> to vector<32x1x64xf32>
    %broadcast_in_dim3A_442 = vector.shape_cast %broadcast_in_dim3A_441 : vector<32x1x64xf32> to vector<32x1x64xf32>
    %broadcast_in_dim3A_443 = vector.broadcast %broadcast_in_dim3A_442 : vector<32x1x64xf32> to vector<32x32x64xf32>
    %concatenate3A_444 = tpu.concatenate %broadcast_in_dim3A_440, %broadcast_in_dim3A_443 in 2 : vector<32x32x64xf32>, vector<32x32x64xf32> -> vector<32x32x128xf32>
    %swap3A_445 = arith.constant 0 : index
    %swap3A_446 = arith.constant 5 : index
    %swap3A_447 = arith.constant 0 : index
    %swap3A_448 = arith.constant 0 : index
    %swap3A_449 = arith.constant 0 : index
    %swap3A_450 = vector.load %arg5[%swap3A_445, %swap3A_446, %swap3A_447, %swap3A_448, %swap3A_449] : memref<1x16x32x32x129xf32, #tpu.memory_space<vmem>>, vector<1x1x32x32x128xf32>
    %swap3A_451 = vector.shape_cast %swap3A_450 : vector<1x1x32x32x128xf32> to vector<32x32x128xf32>
    %swap3A_452 = vector.shape_cast %concatenate3A_444 : vector<32x32x128xf32> to vector<1x1x32x32x128xf32>
    tpu.vector_store %arg5[%swap3A_445, %swap3A_446, %swap3A_447, %swap3A_448, %swap3A_449], %swap3A_452 {strides = array<i32>} : memref<1x16x32x32x129xf32, #tpu.memory_space<vmem>>, vector<1x1x32x32x128xf32>,
    %get3A_453 = arith.constant 0 : index
    %get3A_454 = arith.constant 5 : index
    %get3A_455 = arith.constant 0 : index
    %get3A_456 = arith.constant 0 : index
    %get3A_457 = vector.load %arg4[%get3A_453, %get3A_454, %get3A_455, %get3A_456] : memref<1x16x32x32xf32, #tpu.memory_space<vmem>>, vector<1x1x32x32xf32>
    %get3A_458 = vector.shape_cast %get3A_457 : vector<1x1x32x32xf32> to vector<32x32xf32>
    %broadcast_in_dim3A_459 = vector.shape_cast %get3A_458 : vector<32x32xf32> to vector<32x32x1xf32>
    %swap3A_460 = arith.constant 0 : index
    %swap3A_461 = arith.constant 5 : index
    %swap3A_462 = arith.constant 0 : index
    %swap3A_463 = arith.constant 0 : index
    %swap3A_464 = arith.constant 128 : index
    %swap3A_465 = vector.load %arg5[%swap3A_460, %swap3A_461, %swap3A_462, %swap3A_463, %swap3A_464] : memref<1x16x32x32x129xf32, #tpu.memory_space<vmem>>, vector<1x1x32x32x1xf32>
    %swap3A_466 = vector.shape_cast %swap3A_465 : vector<1x1x32x32x1xf32> to vector<32x32x1xf32>
    %swap3A_467 = vector.shape_cast %broadcast_in_dim3A_459 : vector<32x32x1xf32> to vector<1x1x32x32x1xf32>
    tpu.vector_store %arg5[%swap3A_460, %swap3A_461, %swap3A_462, %swap3A_463, %swap3A_464], %swap3A_467 {strides = array<i32>} : memref<1x16x32x32x129xf32, #tpu.memory_space<vmem>>, vector<1x1x32x32x1xf32>,
    %get3A_468 = arith.index_cast %arg0 : i32 to index
    %get3A_469 = arith.constant 6 : index
    %get3A_470 = arith.constant 0 : index
    %get3A_471 = memref.load %arg1[%get3A_468, %get3A_469, %get3A_470] : memref<32x16x2xi32, #tpu.memory_space<smem>>
    %jit3A_472 = arith.constant 8 : i32
    %eq3A_473 = arith.constant 0 : i32
    %eq3A_474 = arith.cmpi eq, %jit3A_472, %eq3A_473 : i32
    %jit3A_475 = arith.constant 1 : i32
    %select_n3A_476 = arith.select %eq3A_474, %jit3A_475, %jit3A_472 : i32
    %rem3A_477 = arith.remsi %get3A_471, %select_n3A_476 : i32
    %ne3A_478 = arith.constant 0 : i32
    %ne3A_479 = arith.cmpi ne, %rem3A_477, %ne3A_478 : i32
    %lt3A_480 = arith.constant 0 : i32
    %lt3A_481 = arith.cmpi slt, %rem3A_477, %lt3A_480 : i32
    %lt3A_482 = arith.constant 0 : i32
    %lt3A_483 = arith.cmpi slt, %select_n3A_476, %lt3A_482 : i32
    %ne3A_484 = arith.xori %lt3A_481, %lt3A_483 : i1
    %and3A_485 = arith.andi %ne3A_484, %ne3A_479 : i1
    %add3A_486 = arith.addi %rem3A_477, %select_n3A_476 : i32
    %select_n3A_487 = arith.select %and3A_485, %add3A_486, %rem3A_477 : i32
    %get3A_488 = arith.index_cast %arg0 : i32 to index
    %get3A_489 = arith.constant 6 : index
    %get3A_490 = arith.constant 1 : index
    %get3A_491 = memref.load %arg1[%get3A_488, %get3A_489, %get3A_490] : memref<32x16x2xi32, #tpu.memory_space<smem>>
    %jit3A_492 = arith.constant 8 : i32
    %eq3A_493 = arith.constant 0 : i32
    %eq3A_494 = arith.cmpi eq, %jit3A_492, %eq3A_493 : i32
    %jit3A_495 = arith.constant 1 : i32
    %select_n3A_496 = arith.select %eq3A_494, %jit3A_495, %jit3A_492 : i32
    %rem3A_497 = arith.remsi %get3A_491, %select_n3A_496 : i32
    %ne3A_498 = arith.constant 0 : i32
    %ne3A_499 = arith.cmpi ne, %rem3A_497, %ne3A_498 : i32
    %lt3A_500 = arith.constant 0 : i32
    %lt3A_501 = arith.cmpi slt, %rem3A_497, %lt3A_500 : i32
    %lt3A_502 = arith.constant 0 : i32
    %lt3A_503 = arith.cmpi slt, %select_n3A_496, %lt3A_502 : i32
    %ne3A_504 = arith.xori %lt3A_501, %lt3A_503 : i1
    %and3A_505 = arith.andi %ne3A_504, %ne3A_499 : i1
    %add3A_506 = arith.addi %rem3A_497, %select_n3A_496 : i32
    %select_n3A_507 = arith.select %and3A_505, %add3A_506, %rem3A_497 : i32
    %get3A_508 = arith.constant 6 : index
    %get3A_509 = arith.index_cast %select_n3A_487 : i32 to index
    %get3A_510 = arith.constant 0 : index
    %get3A_511 = vector.load %arg2[%get3A_508, %get3A_509, %get3A_510] : memref<16x40x64xf32, #tpu.memory_space<vmem>>, vector<1x32x64xf32>
    %get3A_512 = vector.shape_cast %get3A_511 : vector<1x32x64xf32> to vector<32x64xf32>
    %get3A_513 = arith.constant 6 : index
    %get3A_514 = arith.index_cast %select_n3A_507 : i32 to index
    %get3A_515 = arith.constant 0 : index
    %get3A_516 = vector.load %arg3[%get3A_513, %get3A_514, %get3A_515] : memref<16x40x64xf32, #tpu.memory_space<vmem>>, vector<1x32x64xf32>
    %get3A_517 = vector.shape_cast %get3A_516 : vector<1x32x64xf32> to vector<32x64xf32>
    %broadcast_in_dim3A_518 = vector.shape_cast %get3A_512 : vector<32x64xf32> to vector<1x32x64xf32>
    %broadcast_in_dim3A_519 = vector.shape_cast %broadcast_in_dim3A_518 : vector<1x32x64xf32> to vector<1x32x64xf32>
    %broadcast_in_dim3A_520 = vector.broadcast %broadcast_in_dim3A_519 : vector<1x32x64xf32> to vector<32x32x64xf32>
    %broadcast_in_dim3A_521 = vector.shape_cast %get3A_517 : vector<32x64xf32> to vector<32x1x64xf32>
    %broadcast_in_dim3A_522 = vector.shape_cast %broadcast_in_dim3A_521 : vector<32x1x64xf32> to vector<32x1x64xf32>
    %broadcast_in_dim3A_523 = vector.broadcast %broadcast_in_dim3A_522 : vector<32x1x64xf32> to vector<32x32x64xf32>
    %concatenate3A_524 = tpu.concatenate %broadcast_in_dim3A_520, %broadcast_in_dim3A_523 in 2 : vector<32x32x64xf32>, vector<32x32x64xf32> -> vector<32x32x128xf32>
    %swap3A_525 = arith.constant 0 : index
    %swap3A_526 = arith.constant 6 : index
    %swap3A_527 = arith.constant 0 : index
    %swap3A_528 = arith.constant 0 : index
    %swap3A_529 = arith.constant 0 : index
    %swap3A_530 = vector.load %arg5[%swap3A_525, %swap3A_526, %swap3A_527, %swap3A_528, %swap3A_529] : memref<1x16x32x32x129xf32, #tpu.memory_space<vmem>>, vector<1x1x32x32x128xf32>
    %swap3A_531 = vector.shape_cast %swap3A_530 : vector<1x1x32x32x128xf32> to vector<32x32x128xf32>
    %swap3A_532 = vector.shape_cast %concatenate3A_524 : vector<32x32x128xf32> to vector<1x1x32x32x128xf32>
    tpu.vector_store %arg5[%swap3A_525, %swap3A_526, %swap3A_527, %swap3A_528, %swap3A_529], %swap3A_532 {strides = array<i32>} : memref<1x16x32x32x129xf32, #tpu.memory_space<vmem>>, vector<1x1x32x32x128xf32>,
    %get3A_533 = arith.constant 0 : index
    %get3A_534 = arith.constant 6 : index
    %get3A_535 = arith.constant 0 : index
    %get3A_536 = arith.constant 0 : index
    %get3A_537 = vector.load %arg4[%get3A_533, %get3A_534, %get3A_535, %get3A_536] : memref<1x16x32x32xf32, #tpu.memory_space<vmem>>, vector<1x1x32x32xf32>
    %get3A_538 = vector.shape_cast %get3A_537 : vector<1x1x32x32xf32> to vector<32x32xf32>
    %broadcast_in_dim3A_539 = vector.shape_cast %get3A_538 : vector<32x32xf32> to vector<32x32x1xf32>
    %swap3A_540 = arith.constant 0 : index
    %swap3A_541 = arith.constant 6 : index
    %swap3A_542 = arith.constant 0 : index
    %swap3A_543 = arith.constant 0 : index
    %swap3A_544 = arith.constant 128 : index
    %swap3A_545 = vector.load %arg5[%swap3A_540, %swap3A_541, %swap3A_542, %swap3A_543, %swap3A_544] : memref<1x16x32x32x129xf32, #tpu.memory_space<vmem>>, vector<1x1x32x32x1xf32>
    %swap3A_546 = vector.shape_cast %swap3A_545 : vector<1x1x32x32x1xf32> to vector<32x32x1xf32>
    %swap3A_547 = vector.shape_cast %broadcast_in_dim3A_539 : vector<32x32x1xf32> to vector<1x1x32x32x1xf32>
    tpu.vector_store %arg5[%swap3A_540, %swap3A_541, %swap3A_542, %swap3A_543, %swap3A_544], %swap3A_547 {strides = array<i32>} : memref<1x16x32x32x129xf32, #tpu.memory_space<vmem>>, vector<1x1x32x32x1xf32>,
    %get3A_548 = arith.index_cast %arg0 : i32 to index
    %get3A_549 = arith.constant 7 : index
    %get3A_550 = arith.constant 0 : index
    %get3A_551 = memref.load %arg1[%get3A_548, %get3A_549, %get3A_550] : memref<32x16x2xi32, #tpu.memory_space<smem>>
    %jit3A_552 = arith.constant 8 : i32
    %eq3A_553 = arith.constant 0 : i32
    %eq3A_554 = arith.cmpi eq, %jit3A_552, %eq3A_553 : i32
    %jit3A_555 = arith.constant 1 : i32
    %select_n3A_556 = arith.select %eq3A_554, %jit3A_555, %jit3A_552 : i32
    %rem3A_557 = arith.remsi %get3A_551, %select_n3A_556 : i32
    %ne3A_558 = arith.constant 0 : i32
    %ne3A_559 = arith.cmpi ne, %rem3A_557, %ne3A_558 : i32
    %lt3A_560 = arith.constant 0 : i32
    %lt3A_561 = arith.cmpi slt, %rem3A_557, %lt3A_560 : i32
    %lt3A_562 = arith.constant 0 : i32
    %lt3A_563 = arith.cmpi slt, %select_n3A_556, %lt3A_562 : i32
    %ne3A_564 = arith.xori %lt3A_561, %lt3A_563 : i1
    %and3A_565 = arith.andi %ne3A_564, %ne3A_559 : i1
    %add3A_566 = arith.addi %rem3A_557, %select_n3A_556 : i32
    %select_n3A_567 = arith.select %and3A_565, %add3A_566, %rem3A_557 : i32
    %get3A_568 = arith.index_cast %arg0 : i32 to index
    %get3A_569 = arith.constant 7 : index
    %get3A_570 = arith.constant 1 : index
    %get3A_571 = memref.load %arg1[%get3A_568, %get3A_569, %get3A_570] : memref<32x16x2xi32, #tpu.memory_space<smem>>
    %jit3A_572 = arith.constant 8 : i32
    %eq3A_573 = arith.constant 0 : i32
    %eq3A_574 = arith.cmpi eq, %jit3A_572, %eq3A_573 : i32
    %jit3A_575 = arith.constant 1 : i32
    %select_n3A_576 = arith.select %eq3A_574, %jit3A_575, %jit3A_572 : i32
    %rem3A_577 = arith.remsi %get3A_571, %select_n3A_576 : i32
    %ne3A_578 = arith.constant 0 : i32
    %ne3A_579 = arith.cmpi ne, %rem3A_577, %ne3A_578 : i32
    %lt3A_580 = arith.constant 0 : i32
    %lt3A_581 = arith.cmpi slt, %rem3A_577, %lt3A_580 : i32
    %lt3A_582 = arith.constant 0 : i32
    %lt3A_583 = arith.cmpi slt, %select_n3A_576, %lt3A_582 : i32
    %ne3A_584 = arith.xori %lt3A_581, %lt3A_583 : i1
    %and3A_585 = arith.andi %ne3A_584, %ne3A_579 : i1
    %add3A_586 = arith.addi %rem3A_577, %select_n3A_576 : i32
    %select_n3A_587 = arith.select %and3A_585, %add3A_586, %rem3A_577 : i32
    %get3A_588 = arith.constant 7 : index
    %get3A_589 = arith.index_cast %select_n3A_567 : i32 to index
    %get3A_590 = arith.constant 0 : index
    %get3A_591 = vector.load %arg2[%get3A_588, %get3A_589, %get3A_590] : memref<16x40x64xf32, #tpu.memory_space<vmem>>, vector<1x32x64xf32>
    %get3A_592 = vector.shape_cast %get3A_591 : vector<1x32x64xf32> to vector<32x64xf32>
    %get3A_593 = arith.constant 7 : index
    %get3A_594 = arith.index_cast %select_n3A_587 : i32 to index
    %get3A_595 = arith.constant 0 : index
    %get3A_596 = vector.load %arg3[%get3A_593, %get3A_594, %get3A_595] : memref<16x40x64xf32, #tpu.memory_space<vmem>>, vector<1x32x64xf32>
    %get3A_597 = vector.shape_cast %get3A_596 : vector<1x32x64xf32> to vector<32x64xf32>
    %broadcast_in_dim3A_598 = vector.shape_cast %get3A_592 : vector<32x64xf32> to vector<1x32x64xf32>
    %broadcast_in_dim3A_599 = vector.shape_cast %broadcast_in_dim3A_598 : vector<1x32x64xf32> to vector<1x32x64xf32>
    %broadcast_in_dim3A_600 = vector.broadcast %broadcast_in_dim3A_599 : vector<1x32x64xf32> to vector<32x32x64xf32>
    %broadcast_in_dim3A_601 = vector.shape_cast %get3A_597 : vector<32x64xf32> to vector<32x1x64xf32>
    %broadcast_in_dim3A_602 = vector.shape_cast %broadcast_in_dim3A_601 : vector<32x1x64xf32> to vector<32x1x64xf32>
    %broadcast_in_dim3A_603 = vector.broadcast %broadcast_in_dim3A_602 : vector<32x1x64xf32> to vector<32x32x64xf32>
    %concatenate3A_604 = tpu.concatenate %broadcast_in_dim3A_600, %broadcast_in_dim3A_603 in 2 : vector<32x32x64xf32>, vector<32x32x64xf32> -> vector<32x32x128xf32>
    %swap3A_605 = arith.constant 0 : index
    %swap3A_606 = arith.constant 7 : index
    %swap3A_607 = arith.constant 0 : index
    %swap3A_608 = arith.constant 0 : index
    %swap3A_609 = arith.constant 0 : index
    %swap3A_610 = vector.load %arg5[%swap3A_605, %swap3A_606, %swap3A_607, %swap3A_608, %swap3A_609] : memref<1x16x32x32x129xf32, #tpu.memory_space<vmem>>, vector<1x1x32x32x128xf32>
    %swap3A_611 = vector.shape_cast %swap3A_610 : vector<1x1x32x32x128xf32> to vector<32x32x128xf32>
    %swap3A_612 = vector.shape_cast %concatenate3A_604 : vector<32x32x128xf32> to vector<1x1x32x32x128xf32>
    tpu.vector_store %arg5[%swap3A_605, %swap3A_606, %swap3A_607, %swap3A_608, %swap3A_609], %swap3A_612 {strides = array<i32>} : memref<1x16x32x32x129xf32, #tpu.memory_space<vmem>>, vector<1x1x32x32x128xf32>,
    %get3A_613 = arith.constant 0 : index
    %get3A_614 = arith.constant 7 : index
    %get3A_615 = arith.constant 0 : index
    %get3A_616 = arith.constant 0 : index
    %get3A_617 = vector.load %arg4[%get3A_613, %get3A_614, %get3A_615, %get3A_616] : memref<1x16x32x32xf32, #tpu.memory_space<vmem>>, vector<1x1x32x32xf32>
    %get3A_618 = vector.shape_cast %get3A_617 : vector<1x1x32x32xf32> to vector<32x32xf32>
    %broadcast_in_dim3A_619 = vector.shape_cast %get3A_618 : vector<32x32xf32> to vector<32x32x1xf32>
    %swap3A_620 = arith.constant 0 : index
    %swap3A_621 = arith.constant 7 : index
    %swap3A_622 = arith.constant 0 : index
    %swap3A_623 = arith.constant 0 : index
    %swap3A_624 = arith.constant 128 : index
    %swap3A_625 = vector.load %arg5[%swap3A_620, %swap3A_621, %swap3A_622, %swap3A_623, %swap3A_624] : memref<1x16x32x32x129xf32, #tpu.memory_space<vmem>>, vector<1x1x32x32x1xf32>
    %swap3A_626 = vector.shape_cast %swap3A_625 : vector<1x1x32x32x1xf32> to vector<32x32x1xf32>
    %swap3A_627 = vector.shape_cast %broadcast_in_dim3A_619 : vector<32x32x1xf32> to vector<1x1x32x32x1xf32>
    tpu.vector_store %arg5[%swap3A_620, %swap3A_621, %swap3A_622, %swap3A_623, %swap3A_624], %swap3A_627 {strides = array<i32>} : memref<1x16x32x32x129xf32, #tpu.memory_space<vmem>>, vector<1x1x32x32x1xf32>,
    %get3A_628 = arith.index_cast %arg0 : i32 to index
    %get3A_629 = arith.constant 8 : index
    %get3A_630 = arith.constant 0 : index
    %get3A_631 = memref.load %arg1[%get3A_628, %get3A_629, %get3A_630] : memref<32x16x2xi32, #tpu.memory_space<smem>>
    %jit3A_632 = arith.constant 8 : i32
    %eq3A_633 = arith.constant 0 : i32
    %eq3A_634 = arith.cmpi eq, %jit3A_632, %eq3A_633 : i32
    %jit3A_635 = arith.constant 1 : i32
    %select_n3A_636 = arith.select %eq3A_634, %jit3A_635, %jit3A_632 : i32
    %rem3A_637 = arith.remsi %get3A_631, %select_n3A_636 : i32
    %ne3A_638 = arith.constant 0 : i32
    %ne3A_639 = arith.cmpi ne, %rem3A_637, %ne3A_638 : i32
    %lt3A_640 = arith.constant 0 : i32
    %lt3A_641 = arith.cmpi slt, %rem3A_637, %lt3A_640 : i32
    %lt3A_642 = arith.constant 0 : i32
    %lt3A_643 = arith.cmpi slt, %select_n3A_636, %lt3A_642 : i32
    %ne3A_644 = arith.xori %lt3A_641, %lt3A_643 : i1
    %and3A_645 = arith.andi %ne3A_644, %ne3A_639 : i1
    %add3A_646 = arith.addi %rem3A_637, %select_n3A_636 : i32
    %select_n3A_647 = arith.select %and3A_645, %add3A_646, %rem3A_637 : i32
    %get3A_648 = arith.index_cast %arg0 : i32 to index
    %get3A_649 = arith.constant 8 : index
    %get3A_650 = arith.constant 1 : index
    %get3A_651 = memref.load %arg1[%get3A_648, %get3A_649, %get3A_650] : memref<32x16x2xi32, #tpu.memory_space<smem>>
    %jit3A_652 = arith.constant 8 : i32
    %eq3A_653 = arith.constant 0 : i32
    %eq3A_654 = arith.cmpi eq, %jit3A_652, %eq3A_653 : i32
    %jit3A_655 = arith.constant 1 : i32
    %select_n3A_656 = arith.select %eq3A_654, %jit3A_655, %jit3A_652 : i32
    %rem3A_657 = arith.remsi %get3A_651, %select_n3A_656 : i32
    %ne3A_658 = arith.constant 0 : i32
    %ne3A_659 = arith.cmpi ne, %rem3A_657, %ne3A_658 : i32
    %lt3A_660 = arith.constant 0 : i32
    %lt3A_661 = arith.cmpi slt, %rem3A_657, %lt3A_660 : i32
    %lt3A_662 = arith.constant 0 : i32
    %lt3A_663 = arith.cmpi slt, %select_n3A_656, %lt3A_662 : i32
    %ne3A_664 = arith.xori %lt3A_661, %lt3A_663 : i1
    %and3A_665 = arith.andi %ne3A_664, %ne3A_659 : i1
    %add3A_666 = arith.addi %rem3A_657, %select_n3A_656 : i32
    %select_n3A_667 = arith.select %and3A_665, %add3A_666, %rem3A_657 : i32
    %get3A_668 = arith.constant 8 : index
    %get3A_669 = arith.index_cast %select_n3A_647 : i32 to index
    %get3A_670 = arith.constant 0 : index
    %get3A_671 = vector.load %arg2[%get3A_668, %get3A_669, %get3A_670] : memref<16x40x64xf32, #tpu.memory_space<vmem>>, vector<1x32x64xf32>
    %get3A_672 = vector.shape_cast %get3A_671 : vector<1x32x64xf32> to vector<32x64xf32>
    %get3A_673 = arith.constant 8 : index
    %get3A_674 = arith.index_cast %select_n3A_667 : i32 to index
    %get3A_675 = arith.constant 0 : index
    %get3A_676 = vector.load %arg3[%get3A_673, %get3A_674, %get3A_675] : memref<16x40x64xf32, #tpu.memory_space<vmem>>, vector<1x32x64xf32>
    %get3A_677 = vector.shape_cast %get3A_676 : vector<1x32x64xf32> to vector<32x64xf32>
    %broadcast_in_dim3A_678 = vector.shape_cast %get3A_672 : vector<32x64xf32> to vector<1x32x64xf32>
    %broadcast_in_dim3A_679 = vector.shape_cast %broadcast_in_dim3A_678 : vector<1x32x64xf32> to vector<1x32x64xf32>
    %broadcast_in_dim3A_680 = vector.broadcast %broadcast_in_dim3A_679 : vector<1x32x64xf32> to vector<32x32x64xf32>
    %broadcast_in_dim3A_681 = vector.shape_cast %get3A_677 : vector<32x64xf32> to vector<32x1x64xf32>
    %broadcast_in_dim3A_682 = vector.shape_cast %broadcast_in_dim3A_681 : vector<32x1x64xf32> to vector<32x1x64xf32>
    %broadcast_in_dim3A_683 = vector.broadcast %broadcast_in_dim3A_682 : vector<32x1x64xf32> to vector<32x32x64xf32>
    %concatenate3A_684 = tpu.concatenate %broadcast_in_dim3A_680, %broadcast_in_dim3A_683 in 2 : vector<32x32x64xf32>, vector<32x32x64xf32> -> vector<32x32x128xf32>
    %swap3A_685 = arith.constant 0 : index
    %swap3A_686 = arith.constant 8 : index
    %swap3A_687 = arith.constant 0 : index
    %swap3A_688 = arith.constant 0 : index
    %swap3A_689 = arith.constant 0 : index
    %swap3A_690 = vector.load %arg5[%swap3A_685, %swap3A_686, %swap3A_687, %swap3A_688, %swap3A_689] : memref<1x16x32x32x129xf32, #tpu.memory_space<vmem>>, vector<1x1x32x32x128xf32>
    %swap3A_691 = vector.shape_cast %swap3A_690 : vector<1x1x32x32x128xf32> to vector<32x32x128xf32>
    %swap3A_692 = vector.shape_cast %concatenate3A_684 : vector<32x32x128xf32> to vector<1x1x32x32x128xf32>
    tpu.vector_store %arg5[%swap3A_685, %swap3A_686, %swap3A_687, %swap3A_688, %swap3A_689], %swap3A_692 {strides = array<i32>} : memref<1x16x32x32x129xf32, #tpu.memory_space<vmem>>, vector<1x1x32x32x128xf32>,
    %get3A_693 = arith.constant 0 : index
    %get3A_694 = arith.constant 8 : index
    %get3A_695 = arith.constant 0 : index
    %get3A_696 = arith.constant 0 : index
    %get3A_697 = vector.load %arg4[%get3A_693, %get3A_694, %get3A_695, %get3A_696] : memref<1x16x32x32xf32, #tpu.memory_space<vmem>>, vector<1x1x32x32xf32>
    %get3A_698 = vector.shape_cast %get3A_697 : vector<1x1x32x32xf32> to vector<32x32xf32>
    %broadcast_in_dim3A_699 = vector.shape_cast %get3A_698 : vector<32x32xf32> to vector<32x32x1xf32>
    %swap3A_700 = arith.constant 0 : index
    %swap3A_701 = arith.constant 8 : index
    %swap3A_702 = arith.constant 0 : index
    %swap3A_703 = arith.constant 0 : index
    %swap3A_704 = arith.constant 128 : index
    %swap3A_705 = vector.load %arg5[%swap3A_700, %swap3A_701, %swap3A_702, %swap3A_703, %swap3A_704] : memref<1x16x32x32x129xf32, #tpu.memory_space<vmem>>, vector<1x1x32x32x1xf32>
    %swap3A_706 = vector.shape_cast %swap3A_705 : vector<1x1x32x32x1xf32> to vector<32x32x1xf32>
    %swap3A_707 = vector.shape_cast %broadcast_in_dim3A_699 : vector<32x32x1xf32> to vector<1x1x32x32x1xf32>
    tpu.vector_store %arg5[%swap3A_700, %swap3A_701, %swap3A_702, %swap3A_703, %swap3A_704], %swap3A_707 {strides = array<i32>} : memref<1x16x32x32x129xf32, #tpu.memory_space<vmem>>, vector<1x1x32x32x1xf32>,
    %get3A_708 = arith.index_cast %arg0 : i32 to index
    %get3A_709 = arith.constant 9 : index
    %get3A_710 = arith.constant 0 : index
    %get3A_711 = memref.load %arg1[%get3A_708, %get3A_709, %get3A_710] : memref<32x16x2xi32, #tpu.memory_space<smem>>
    %jit3A_712 = arith.constant 8 : i32
    %eq3A_713 = arith.constant 0 : i32
    %eq3A_714 = arith.cmpi eq, %jit3A_712, %eq3A_713 : i32
    %jit3A_715 = arith.constant 1 : i32
    %select_n3A_716 = arith.select %eq3A_714, %jit3A_715, %jit3A_712 : i32
    %rem3A_717 = arith.remsi %get3A_711, %select_n3A_716 : i32
    %ne3A_718 = arith.constant 0 : i32
    %ne3A_719 = arith.cmpi ne, %rem3A_717, %ne3A_718 : i32
    %lt3A_720 = arith.constant 0 : i32
    %lt3A_721 = arith.cmpi slt, %rem3A_717, %lt3A_720 : i32
    %lt3A_722 = arith.constant 0 : i32
    %lt3A_723 = arith.cmpi slt, %select_n3A_716, %lt3A_722 : i32
    %ne3A_724 = arith.xori %lt3A_721, %lt3A_723 : i1
    %and3A_725 = arith.andi %ne3A_724, %ne3A_719 : i1
    %add3A_726 = arith.addi %rem3A_717, %select_n3A_716 : i32
    %select_n3A_727 = arith.select %and3A_725, %add3A_726, %rem3A_717 : i32
    %get3A_728 = arith.index_cast %arg0 : i32 to index
    %get3A_729 = arith.constant 9 : index
    %get3A_730 = arith.constant 1 : index
    %get3A_731 = memref.load %arg1[%get3A_728, %get3A_729, %get3A_730] : memref<32x16x2xi32, #tpu.memory_space<smem>>
    %jit3A_732 = arith.constant 8 : i32
    %eq3A_733 = arith.constant 0 : i32
    %eq3A_734 = arith.cmpi eq, %jit3A_732, %eq3A_733 : i32
    %jit3A_735 = arith.constant 1 : i32
    %select_n3A_736 = arith.select %eq3A_734, %jit3A_735, %jit3A_732 : i32
    %rem3A_737 = arith.remsi %get3A_731, %select_n3A_736 : i32
    %ne3A_738 = arith.constant 0 : i32
    %ne3A_739 = arith.cmpi ne, %rem3A_737, %ne3A_738 : i32
    %lt3A_740 = arith.constant 0 : i32
    %lt3A_741 = arith.cmpi slt, %rem3A_737, %lt3A_740 : i32
    %lt3A_742 = arith.constant 0 : i32
    %lt3A_743 = arith.cmpi slt, %select_n3A_736, %lt3A_742 : i32
    %ne3A_744 = arith.xori %lt3A_741, %lt3A_743 : i1
    %and3A_745 = arith.andi %ne3A_744, %ne3A_739 : i1
    %add3A_746 = arith.addi %rem3A_737, %select_n3A_736 : i32
    %select_n3A_747 = arith.select %and3A_745, %add3A_746, %rem3A_737 : i32
    %get3A_748 = arith.constant 9 : index
    %get3A_749 = arith.index_cast %select_n3A_727 : i32 to index
    %get3A_750 = arith.constant 0 : index
    %get3A_751 = vector.load %arg2[%get3A_748, %get3A_749, %get3A_750] : memref<16x40x64xf32, #tpu.memory_space<vmem>>, vector<1x32x64xf32>
    %get3A_752 = vector.shape_cast %get3A_751 : vector<1x32x64xf32> to vector<32x64xf32>
    %get3A_753 = arith.constant 9 : index
    %get3A_754 = arith.index_cast %select_n3A_747 : i32 to index
    %get3A_755 = arith.constant 0 : index
    %get3A_756 = vector.load %arg3[%get3A_753, %get3A_754, %get3A_755] : memref<16x40x64xf32, #tpu.memory_space<vmem>>, vector<1x32x64xf32>
    %get3A_757 = vector.shape_cast %get3A_756 : vector<1x32x64xf32> to vector<32x64xf32>
    %broadcast_in_dim3A_758 = vector.shape_cast %get3A_752 : vector<32x64xf32> to vector<1x32x64xf32>
    %broadcast_in_dim3A_759 = vector.shape_cast %broadcast_in_dim3A_758 : vector<1x32x64xf32> to vector<1x32x64xf32>
    %broadcast_in_dim3A_760 = vector.broadcast %broadcast_in_dim3A_759 : vector<1x32x64xf32> to vector<32x32x64xf32>
    %broadcast_in_dim3A_761 = vector.shape_cast %get3A_757 : vector<32x64xf32> to vector<32x1x64xf32>
    %broadcast_in_dim3A_762 = vector.shape_cast %broadcast_in_dim3A_761 : vector<32x1x64xf32> to vector<32x1x64xf32>
    %broadcast_in_dim3A_763 = vector.broadcast %broadcast_in_dim3A_762 : vector<32x1x64xf32> to vector<32x32x64xf32>
    %concatenate3A_764 = tpu.concatenate %broadcast_in_dim3A_760, %broadcast_in_dim3A_763 in 2 : vector<32x32x64xf32>, vector<32x32x64xf32> -> vector<32x32x128xf32>
    %swap3A_765 = arith.constant 0 : index
    %swap3A_766 = arith.constant 9 : index
    %swap3A_767 = arith.constant 0 : index
    %swap3A_768 = arith.constant 0 : index
    %swap3A_769 = arith.constant 0 : index
    %swap3A_770 = vector.load %arg5[%swap3A_765, %swap3A_766, %swap3A_767, %swap3A_768, %swap3A_769] : memref<1x16x32x32x129xf32, #tpu.memory_space<vmem>>, vector<1x1x32x32x128xf32>
    %swap3A_771 = vector.shape_cast %swap3A_770 : vector<1x1x32x32x128xf32> to vector<32x32x128xf32>
    %swap3A_772 = vector.shape_cast %concatenate3A_764 : vector<32x32x128xf32> to vector<1x1x32x32x128xf32>
    tpu.vector_store %arg5[%swap3A_765, %swap3A_766, %swap3A_767, %swap3A_768, %swap3A_769], %swap3A_772 {strides = array<i32>} : memref<1x16x32x32x129xf32, #tpu.memory_space<vmem>>, vector<1x1x32x32x128xf32>,
    %get3A_773 = arith.constant 0 : index
    %get3A_774 = arith.constant 9 : index
    %get3A_775 = arith.constant 0 : index
    %get3A_776 = arith.constant 0 : index
    %get3A_777 = vector.load %arg4[%get3A_773, %get3A_774, %get3A_775, %get3A_776] : memref<1x16x32x32xf32, #tpu.memory_space<vmem>>, vector<1x1x32x32xf32>
    %get3A_778 = vector.shape_cast %get3A_777 : vector<1x1x32x32xf32> to vector<32x32xf32>
    %broadcast_in_dim3A_779 = vector.shape_cast %get3A_778 : vector<32x32xf32> to vector<32x32x1xf32>
    %swap3A_780 = arith.constant 0 : index
    %swap3A_781 = arith.constant 9 : index
    %swap3A_782 = arith.constant 0 : index
    %swap3A_783 = arith.constant 0 : index
    %swap3A_784 = arith.constant 128 : index
    %swap3A_785 = vector.load %arg5[%swap3A_780, %swap3A_781, %swap3A_782, %swap3A_783, %swap3A_784] : memref<1x16x32x32x129xf32, #tpu.memory_space<vmem>>, vector<1x1x32x32x1xf32>
    %swap3A_786 = vector.shape_cast %swap3A_785 : vector<1x1x32x32x1xf32> to vector<32x32x1xf32>
    %swap3A_787 = vector.shape_cast %broadcast_in_dim3A_779 : vector<32x32x1xf32> to vector<1x1x32x32x1xf32>
    tpu.vector_store %arg5[%swap3A_780, %swap3A_781, %swap3A_782, %swap3A_783, %swap3A_784], %swap3A_787 {strides = array<i32>} : memref<1x16x32x32x129xf32, #tpu.memory_space<vmem>>, vector<1x1x32x32x1xf32>,
    %get3A_788 = arith.index_cast %arg0 : i32 to index
    %get3A_789 = arith.constant 10 : index
    %get3A_790 = arith.constant 0 : index
    %get3A_791 = memref.load %arg1[%get3A_788, %get3A_789, %get3A_790] : memref<32x16x2xi32, #tpu.memory_space<smem>>
    %jit3A_792 = arith.constant 8 : i32
    %eq3A_793 = arith.constant 0 : i32
    %eq3A_794 = arith.cmpi eq, %jit3A_792, %eq3A_793 : i32
    %jit3A_795 = arith.constant 1 : i32
    %select_n3A_796 = arith.select %eq3A_794, %jit3A_795, %jit3A_792 : i32
    %rem3A_797 = arith.remsi %get3A_791, %select_n3A_796 : i32
    %ne3A_798 = arith.constant 0 : i32
    %ne3A_799 = arith.cmpi ne, %rem3A_797, %ne3A_798 : i32
    %lt3A_800 = arith.constant 0 : i32
    %lt3A_801 = arith.cmpi slt, %rem3A_797, %lt3A_800 : i32
    %lt3A_802 = arith.constant 0 : i32
    %lt3A_803 = arith.cmpi slt, %select_n3A_796, %lt3A_802 : i32
    %ne3A_804 = arith.xori %lt3A_801, %lt3A_803 : i1
    %and3A_805 = arith.andi %ne3A_804, %ne3A_799 : i1
    %add3A_806 = arith.addi %rem3A_797, %select_n3A_796 : i32
    %select_n3A_807 = arith.select %and3A_805, %add3A_806, %rem3A_797 : i32
    %get3A_808 = arith.index_cast %arg0 : i32 to index
    %get3A_809 = arith.constant 10 : index
    %get3A_810 = arith.constant 1 : index
    %get3A_811 = memref.load %arg1[%get3A_808, %get3A_809, %get3A_810] : memref<32x16x2xi32, #tpu.memory_space<smem>>
    %jit3A_812 = arith.constant 8 : i32
    %eq3A_813 = arith.constant 0 : i32
    %eq3A_814 = arith.cmpi eq, %jit3A_812, %eq3A_813 : i32
    %jit3A_815 = arith.constant 1 : i32
    %select_n3A_816 = arith.select %eq3A_814, %jit3A_815, %jit3A_812 : i32
    %rem3A_817 = arith.remsi %get3A_811, %select_n3A_816 : i32
    %ne3A_818 = arith.constant 0 : i32
    %ne3A_819 = arith.cmpi ne, %rem3A_817, %ne3A_818 : i32
    %lt3A_820 = arith.constant 0 : i32
    %lt3A_821 = arith.cmpi slt, %rem3A_817, %lt3A_820 : i32
    %lt3A_822 = arith.constant 0 : i32
    %lt3A_823 = arith.cmpi slt, %select_n3A_816, %lt3A_822 : i32
    %ne3A_824 = arith.xori %lt3A_821, %lt3A_823 : i1
    %and3A_825 = arith.andi %ne3A_824, %ne3A_819 : i1
    %add3A_826 = arith.addi %rem3A_817, %select_n3A_816 : i32
    %select_n3A_827 = arith.select %and3A_825, %add3A_826, %rem3A_817 : i32
    %get3A_828 = arith.constant 10 : index
    %get3A_829 = arith.index_cast %select_n3A_807 : i32 to index
    %get3A_830 = arith.constant 0 : index
    %get3A_831 = vector.load %arg2[%get3A_828, %get3A_829, %get3A_830] : memref<16x40x64xf32, #tpu.memory_space<vmem>>, vector<1x32x64xf32>
    %get3A_832 = vector.shape_cast %get3A_831 : vector<1x32x64xf32> to vector<32x64xf32>
    %get3A_833 = arith.constant 10 : index
    %get3A_834 = arith.index_cast %select_n3A_827 : i32 to index
    %get3A_835 = arith.constant 0 : index
    %get3A_836 = vector.load %arg3[%get3A_833, %get3A_834, %get3A_835] : memref<16x40x64xf32, #tpu.memory_space<vmem>>, vector<1x32x64xf32>
    %get3A_837 = vector.shape_cast %get3A_836 : vector<1x32x64xf32> to vector<32x64xf32>
    %broadcast_in_dim3A_838 = vector.shape_cast %get3A_832 : vector<32x64xf32> to vector<1x32x64xf32>
    %broadcast_in_dim3A_839 = vector.shape_cast %broadcast_in_dim3A_838 : vector<1x32x64xf32> to vector<1x32x64xf32>
    %broadcast_in_dim3A_840 = vector.broadcast %broadcast_in_dim3A_839 : vector<1x32x64xf32> to vector<32x32x64xf32>
    %broadcast_in_dim3A_841 = vector.shape_cast %get3A_837 : vector<32x64xf32> to vector<32x1x64xf32>
    %broadcast_in_dim3A_842 = vector.shape_cast %broadcast_in_dim3A_841 : vector<32x1x64xf32> to vector<32x1x64xf32>
    %broadcast_in_dim3A_843 = vector.broadcast %broadcast_in_dim3A_842 : vector<32x1x64xf32> to vector<32x32x64xf32>
    %concatenate3A_844 = tpu.concatenate %broadcast_in_dim3A_840, %broadcast_in_dim3A_843 in 2 : vector<32x32x64xf32>, vector<32x32x64xf32> -> vector<32x32x128xf32>
    %swap3A_845 = arith.constant 0 : index
    %swap3A_846 = arith.constant 10 : index
    %swap3A_847 = arith.constant 0 : index
    %swap3A_848 = arith.constant 0 : index
    %swap3A_849 = arith.constant 0 : index
    %swap3A_850 = vector.load %arg5[%swap3A_845, %swap3A_846, %swap3A_847, %swap3A_848, %swap3A_849] : memref<1x16x32x32x129xf32, #tpu.memory_space<vmem>>, vector<1x1x32x32x128xf32>
    %swap3A_851 = vector.shape_cast %swap3A_850 : vector<1x1x32x32x128xf32> to vector<32x32x128xf32>
    %swap3A_852 = vector.shape_cast %concatenate3A_844 : vector<32x32x128xf32> to vector<1x1x32x32x128xf32>
    tpu.vector_store %arg5[%swap3A_845, %swap3A_846, %swap3A_847, %swap3A_848, %swap3A_849], %swap3A_852 {strides = array<i32>} : memref<1x16x32x32x129xf32, #tpu.memory_space<vmem>>, vector<1x1x32x32x128xf32>,
    %get3A_853 = arith.constant 0 : index
    %get3A_854 = arith.constant 10 : index
    %get3A_855 = arith.constant 0 : index
    %get3A_856 = arith.constant 0 : index
    %get3A_857 = vector.load %arg4[%get3A_853, %get3A_854, %get3A_855, %get3A_856] : memref<1x16x32x32xf32, #tpu.memory_space<vmem>>, vector<1x1x32x32xf32>
    %get3A_858 = vector.shape_cast %get3A_857 : vector<1x1x32x32xf32> to vector<32x32xf32>
    %broadcast_in_dim3A_859 = vector.shape_cast %get3A_858 : vector<32x32xf32> to vector<32x32x1xf32>
    %swap3A_860 = arith.constant 0 : index
    %swap3A_861 = arith.constant 10 : index
    %swap3A_862 = arith.constant 0 : index
    %swap3A_863 = arith.constant 0 : index
    %swap3A_864 = arith.constant 128 : index
    %swap3A_865 = vector.load %arg5[%swap3A_860, %swap3A_861, %swap3A_862, %swap3A_863, %swap3A_864] : memref<1x16x32x32x129xf32, #tpu.memory_space<vmem>>, vector<1x1x32x32x1xf32>
    %swap3A_866 = vector.shape_cast %swap3A_865 : vector<1x1x32x32x1xf32> to vector<32x32x1xf32>
    %swap3A_867 = vector.shape_cast %broadcast_in_dim3A_859 : vector<32x32x1xf32> to vector<1x1x32x32x1xf32>
    tpu.vector_store %arg5[%swap3A_860, %swap3A_861, %swap3A_862, %swap3A_863, %swap3A_864], %swap3A_867 {strides = array<i32>} : memref<1x16x32x32x129xf32, #tpu.memory_space<vmem>>, vector<1x1x32x32x1xf32>,
    %get3A_868 = arith.index_cast %arg0 : i32 to index
    %get3A_869 = arith.constant 11 : index
    %get3A_870 = arith.constant 0 : index
    %get3A_871 = memref.load %arg1[%get3A_868, %get3A_869, %get3A_870] : memref<32x16x2xi32, #tpu.memory_space<smem>>
    %jit3A_872 = arith.constant 8 : i32
    %eq3A_873 = arith.constant 0 : i32
    %eq3A_874 = arith.cmpi eq, %jit3A_872, %eq3A_873 : i32
    %jit3A_875 = arith.constant 1 : i32
    %select_n3A_876 = arith.select %eq3A_874, %jit3A_875, %jit3A_872 : i32
    %rem3A_877 = arith.remsi %get3A_871, %select_n3A_876 : i32
    %ne3A_878 = arith.constant 0 : i32
    %ne3A_879 = arith.cmpi ne, %rem3A_877, %ne3A_878 : i32
    %lt3A_880 = arith.constant 0 : i32
    %lt3A_881 = arith.cmpi slt, %rem3A_877, %lt3A_880 : i32
    %lt3A_882 = arith.constant 0 : i32
    %lt3A_883 = arith.cmpi slt, %select_n3A_876, %lt3A_882 : i32
    %ne3A_884 = arith.xori %lt3A_881, %lt3A_883 : i1
    %and3A_885 = arith.andi %ne3A_884, %ne3A_879 : i1
    %add3A_886 = arith.addi %rem3A_877, %select_n3A_876 : i32
    %select_n3A_887 = arith.select %and3A_885, %add3A_886, %rem3A_877 : i32
    %get3A_888 = arith.index_cast %arg0 : i32 to index
    %get3A_889 = arith.constant 11 : index
    %get3A_890 = arith.constant 1 : index
    %get3A_891 = memref.load %arg1[%get3A_888, %get3A_889, %get3A_890] : memref<32x16x2xi32, #tpu.memory_space<smem>>
    %jit3A_892 = arith.constant 8 : i32
    %eq3A_893 = arith.constant 0 : i32
    %eq3A_894 = arith.cmpi eq, %jit3A_892, %eq3A_893 : i32
    %jit3A_895 = arith.constant 1 : i32
    %select_n3A_896 = arith.select %eq3A_894, %jit3A_895, %jit3A_892 : i32
    %rem3A_897 = arith.remsi %get3A_891, %select_n3A_896 : i32
    %ne3A_898 = arith.constant 0 : i32
    %ne3A_899 = arith.cmpi ne, %rem3A_897, %ne3A_898 : i32
    %lt3A_900 = arith.constant 0 : i32
    %lt3A_901 = arith.cmpi slt, %rem3A_897, %lt3A_900 : i32
    %lt3A_902 = arith.constant 0 : i32
    %lt3A_903 = arith.cmpi slt, %select_n3A_896, %lt3A_902 : i32
    %ne3A_904 = arith.xori %lt3A_901, %lt3A_903 : i1
    %and3A_905 = arith.andi %ne3A_904, %ne3A_899 : i1
    %add3A_906 = arith.addi %rem3A_897, %select_n3A_896 : i32
    %select_n3A_907 = arith.select %and3A_905, %add3A_906, %rem3A_897 : i32
    %get3A_908 = arith.constant 11 : index
    %get3A_909 = arith.index_cast %select_n3A_887 : i32 to index
    %get3A_910 = arith.constant 0 : index
    %get3A_911 = vector.load %arg2[%get3A_908, %get3A_909, %get3A_910] : memref<16x40x64xf32, #tpu.memory_space<vmem>>, vector<1x32x64xf32>
    %get3A_912 = vector.shape_cast %get3A_911 : vector<1x32x64xf32> to vector<32x64xf32>
    %get3A_913 = arith.constant 11 : index
    %get3A_914 = arith.index_cast %select_n3A_907 : i32 to index
    %get3A_915 = arith.constant 0 : index
    %get3A_916 = vector.load %arg3[%get3A_913, %get3A_914, %get3A_915] : memref<16x40x64xf32, #tpu.memory_space<vmem>>, vector<1x32x64xf32>
    %get3A_917 = vector.shape_cast %get3A_916 : vector<1x32x64xf32> to vector<32x64xf32>
    %broadcast_in_dim3A_918 = vector.shape_cast %get3A_912 : vector<32x64xf32> to vector<1x32x64xf32>
    %broadcast_in_dim3A_919 = vector.shape_cast %broadcast_in_dim3A_918 : vector<1x32x64xf32> to vector<1x32x64xf32>
    %broadcast_in_dim3A_920 = vector.broadcast %broadcast_in_dim3A_919 : vector<1x32x64xf32> to vector<32x32x64xf32>
    %broadcast_in_dim3A_921 = vector.shape_cast %get3A_917 : vector<32x64xf32> to vector<32x1x64xf32>
    %broadcast_in_dim3A_922 = vector.shape_cast %broadcast_in_dim3A_921 : vector<32x1x64xf32> to vector<32x1x64xf32>
    %broadcast_in_dim3A_923 = vector.broadcast %broadcast_in_dim3A_922 : vector<32x1x64xf32> to vector<32x32x64xf32>
    %concatenate3A_924 = tpu.concatenate %broadcast_in_dim3A_920, %broadcast_in_dim3A_923 in 2 : vector<32x32x64xf32>, vector<32x32x64xf32> -> vector<32x32x128xf32>
    %swap3A_925 = arith.constant 0 : index
    %swap3A_926 = arith.constant 11 : index
    %swap3A_927 = arith.constant 0 : index
    %swap3A_928 = arith.constant 0 : index
    %swap3A_929 = arith.constant 0 : index
    %swap3A_930 = vector.load %arg5[%swap3A_925, %swap3A_926, %swap3A_927, %swap3A_928, %swap3A_929] : memref<1x16x32x32x129xf32, #tpu.memory_space<vmem>>, vector<1x1x32x32x128xf32>
    %swap3A_931 = vector.shape_cast %swap3A_930 : vector<1x1x32x32x128xf32> to vector<32x32x128xf32>
    %swap3A_932 = vector.shape_cast %concatenate3A_924 : vector<32x32x128xf32> to vector<1x1x32x32x128xf32>
    tpu.vector_store %arg5[%swap3A_925, %swap3A_926, %swap3A_927, %swap3A_928, %swap3A_929], %swap3A_932 {strides = array<i32>} : memref<1x16x32x32x129xf32, #tpu.memory_space<vmem>>, vector<1x1x32x32x128xf32>,
    %get3A_933 = arith.constant 0 : index
    %get3A_934 = arith.constant 11 : index
    %get3A_935 = arith.constant 0 : index
    %get3A_936 = arith.constant 0 : index
    %get3A_937 = vector.load %arg4[%get3A_933, %get3A_934, %get3A_935, %get3A_936] : memref<1x16x32x32xf32, #tpu.memory_space<vmem>>, vector<1x1x32x32xf32>
    %get3A_938 = vector.shape_cast %get3A_937 : vector<1x1x32x32xf32> to vector<32x32xf32>
    %broadcast_in_dim3A_939 = vector.shape_cast %get3A_938 : vector<32x32xf32> to vector<32x32x1xf32>
    %swap3A_940 = arith.constant 0 : index
    %swap3A_941 = arith.constant 11 : index
    %swap3A_942 = arith.constant 0 : index
    %swap3A_943 = arith.constant 0 : index
    %swap3A_944 = arith.constant 128 : index
    %swap3A_945 = vector.load %arg5[%swap3A_940, %swap3A_941, %swap3A_942, %swap3A_943, %swap3A_944] : memref<1x16x32x32x129xf32, #tpu.memory_space<vmem>>, vector<1x1x32x32x1xf32>
    %swap3A_946 = vector.shape_cast %swap3A_945 : vector<1x1x32x32x1xf32> to vector<32x32x1xf32>
    %swap3A_947 = vector.shape_cast %broadcast_in_dim3A_939 : vector<32x32x1xf32> to vector<1x1x32x32x1xf32>
    tpu.vector_store %arg5[%swap3A_940, %swap3A_941, %swap3A_942, %swap3A_943, %swap3A_944], %swap3A_947 {strides = array<i32>} : memref<1x16x32x32x129xf32, #tpu.memory_space<vmem>>, vector<1x1x32x32x1xf32>,
    %get3A_948 = arith.index_cast %arg0 : i32 to index
    %get3A_949 = arith.constant 12 : index
    %get3A_950 = arith.constant 0 : index
    %get3A_951 = memref.load %arg1[%get3A_948, %get3A_949, %get3A_950] : memref<32x16x2xi32, #tpu.memory_space<smem>>
    %jit3A_952 = arith.constant 8 : i32
    %eq3A_953 = arith.constant 0 : i32
    %eq3A_954 = arith.cmpi eq, %jit3A_952, %eq3A_953 : i32
    %jit3A_955 = arith.constant 1 : i32
    %select_n3A_956 = arith.select %eq3A_954, %jit3A_955, %jit3A_952 : i32
    %rem3A_957 = arith.remsi %get3A_951, %select_n3A_956 : i32
    %ne3A_958 = arith.constant 0 : i32
    %ne3A_959 = arith.cmpi ne, %rem3A_957, %ne3A_958 : i32
    %lt3A_960 = arith.constant 0 : i32
    %lt3A_961 = arith.cmpi slt, %rem3A_957, %lt3A_960 : i32
    %lt3A_962 = arith.constant 0 : i32
    %lt3A_963 = arith.cmpi slt, %select_n3A_956, %lt3A_962 : i32
    %ne3A_964 = arith.xori %lt3A_961, %lt3A_963 : i1
    %and3A_965 = arith.andi %ne3A_964, %ne3A_959 : i1
    %add3A_966 = arith.addi %rem3A_957, %select_n3A_956 : i32
    %select_n3A_967 = arith.select %and3A_965, %add3A_966, %rem3A_957 : i32
    %get3A_968 = arith.index_cast %arg0 : i32 to index
    %get3A_969 = arith.constant 12 : index
    %get3A_970 = arith.constant 1 : index
    %get3A_971 = memref.load %arg1[%get3A_968, %get3A_969, %get3A_970] : memref<32x16x2xi32, #tpu.memory_space<smem>>
    %jit3A_972 = arith.constant 8 : i32
    %eq3A_973 = arith.constant 0 : i32
    %eq3A_974 = arith.cmpi eq, %jit3A_972, %eq3A_973 : i32
    %jit3A_975 = arith.constant 1 : i32
    %select_n3A_976 = arith.select %eq3A_974, %jit3A_975, %jit3A_972 : i32
    %rem3A_977 = arith.remsi %get3A_971, %select_n3A_976 : i32
    %ne3A_978 = arith.constant 0 : i32
    %ne3A_979 = arith.cmpi ne, %rem3A_977, %ne3A_978 : i32
    %lt3A_980 = arith.constant 0 : i32
    %lt3A_981 = arith.cmpi slt, %rem3A_977, %lt3A_980 : i32
    %lt3A_982 = arith.constant 0 : i32
    %lt3A_983 = arith.cmpi slt, %select_n3A_976, %lt3A_982 : i32
    %ne3A_984 = arith.xori %lt3A_981, %lt3A_983 : i1
    %and3A_985 = arith.andi %ne3A_984, %ne3A_979 : i1
    %add3A_986 = arith.addi %rem3A_977, %select_n3A_976 : i32
    %select_n3A_987 = arith.select %and3A_985, %add3A_986, %rem3A_977 : i32
    %get3A_988 = arith.constant 12 : index
    %get3A_989 = arith.index_cast %select_n3A_967 : i32 to index
    %get3A_990 = arith.constant 0 : index
    %get3A_991 = vector.load %arg2[%get3A_988, %get3A_989, %get3A_990] : memref<16x40x64xf32, #tpu.memory_space<vmem>>, vector<1x32x64xf32>
    %get3A_992 = vector.shape_cast %get3A_991 : vector<1x32x64xf32> to vector<32x64xf32>
    %get3A_993 = arith.constant 12 : index
    %get3A_994 = arith.index_cast %select_n3A_987 : i32 to index
    %get3A_995 = arith.constant 0 : index
    %get3A_996 = vector.load %arg3[%get3A_993, %get3A_994, %get3A_995] : memref<16x40x64xf32, #tpu.memory_space<vmem>>, vector<1x32x64xf32>
    %get3A_997 = vector.shape_cast %get3A_996 : vector<1x32x64xf32> to vector<32x64xf32>
    %broadcast_in_dim3A_998 = vector.shape_cast %get3A_992 : vector<32x64xf32> to vector<1x32x64xf32>
    %broadcast_in_dim3A_999 = vector.shape_cast %broadcast_in_dim3A_998 : vector<1x32x64xf32> to vector<1x32x64xf32>
    %broadcast_in_dim3A_1000 = vector.broadcast %broadcast_in_dim3A_999 : vector<1x32x64xf32> to vector<32x32x64xf32>
    %broadcast_in_dim3A_1001 = vector.shape_cast %get3A_997 : vector<32x64xf32> to vector<32x1x64xf32>
    %broadcast_in_dim3A_1002 = vector.shape_cast %broadcast_in_dim3A_1001 : vector<32x1x64xf32> to vector<32x1x64xf32>
    %broadcast_in_dim3A_1003 = vector.broadcast %broadcast_in_dim3A_1002 : vector<32x1x64xf32> to vector<32x32x64xf32>
    %concatenate3A_1004 = tpu.concatenate %broadcast_in_dim3A_1000, %broadcast_in_dim3A_1003 in 2 : vector<32x32x64xf32>, vector<32x32x64xf32> -> vector<32x32x128xf32>
    %swap3A_1005 = arith.constant 0 : index
    %swap3A_1006 = arith.constant 12 : index
    %swap3A_1007 = arith.constant 0 : index
    %swap3A_1008 = arith.constant 0 : index
    %swap3A_1009 = arith.constant 0 : index
    %swap3A_1010 = vector.load %arg5[%swap3A_1005, %swap3A_1006, %swap3A_1007, %swap3A_1008, %swap3A_1009] : memref<1x16x32x32x129xf32, #tpu.memory_space<vmem>>, vector<1x1x32x32x128xf32>
    %swap3A_1011 = vector.shape_cast %swap3A_1010 : vector<1x1x32x32x128xf32> to vector<32x32x128xf32>
    %swap3A_1012 = vector.shape_cast %concatenate3A_1004 : vector<32x32x128xf32> to vector<1x1x32x32x128xf32>
    tpu.vector_store %arg5[%swap3A_1005, %swap3A_1006, %swap3A_1007, %swap3A_1008, %swap3A_1009], %swap3A_1012 {strides = array<i32>} : memref<1x16x32x32x129xf32, #tpu.memory_space<vmem>>, vector<1x1x32x32x128xf32>,
    %get3A_1013 = arith.constant 0 : index
    %get3A_1014 = arith.constant 12 : index
    %get3A_1015 = arith.constant 0 : index
    %get3A_1016 = arith.constant 0 : index
    %get3A_1017 = vector.load %arg4[%get3A_1013, %get3A_1014, %get3A_1015, %get3A_1016] : memref<1x16x32x32xf32, #tpu.memory_space<vmem>>, vector<1x1x32x32xf32>
    %get3A_1018 = vector.shape_cast %get3A_1017 : vector<1x1x32x32xf32> to vector<32x32xf32>
    %broadcast_in_dim3A_1019 = vector.shape_cast %get3A_1018 : vector<32x32xf32> to vector<32x32x1xf32>
    %swap3A_1020 = arith.constant 0 : index
    %swap3A_1021 = arith.constant 12 : index
    %swap3A_1022 = arith.constant 0 : index
    %swap3A_1023 = arith.constant 0 : index
    %swap3A_1024 = arith.constant 128 : index
    %swap3A_1025 = vector.load %arg5[%swap3A_1020, %swap3A_1021, %swap3A_1022, %swap3A_1023, %swap3A_1024] : memref<1x16x32x32x129xf32, #tpu.memory_space<vmem>>, vector<1x1x32x32x1xf32>
    %swap3A_1026 = vector.shape_cast %swap3A_1025 : vector<1x1x32x32x1xf32> to vector<32x32x1xf32>
    %swap3A_1027 = vector.shape_cast %broadcast_in_dim3A_1019 : vector<32x32x1xf32> to vector<1x1x32x32x1xf32>
    tpu.vector_store %arg5[%swap3A_1020, %swap3A_1021, %swap3A_1022, %swap3A_1023, %swap3A_1024], %swap3A_1027 {strides = array<i32>} : memref<1x16x32x32x129xf32, #tpu.memory_space<vmem>>, vector<1x1x32x32x1xf32>,
    %get3A_1028 = arith.index_cast %arg0 : i32 to index
    %get3A_1029 = arith.constant 13 : index
    %get3A_1030 = arith.constant 0 : index
    %get3A_1031 = memref.load %arg1[%get3A_1028, %get3A_1029, %get3A_1030] : memref<32x16x2xi32, #tpu.memory_space<smem>>
    %jit3A_1032 = arith.constant 8 : i32
    %eq3A_1033 = arith.constant 0 : i32
    %eq3A_1034 = arith.cmpi eq, %jit3A_1032, %eq3A_1033 : i32
    %jit3A_1035 = arith.constant 1 : i32
    %select_n3A_1036 = arith.select %eq3A_1034, %jit3A_1035, %jit3A_1032 : i32
    %rem3A_1037 = arith.remsi %get3A_1031, %select_n3A_1036 : i32
    %ne3A_1038 = arith.constant 0 : i32
    %ne3A_1039 = arith.cmpi ne, %rem3A_1037, %ne3A_1038 : i32
    %lt3A_1040 = arith.constant 0 : i32
    %lt3A_1041 = arith.cmpi slt, %rem3A_1037, %lt3A_1040 : i32
    %lt3A_1042 = arith.constant 0 : i32
    %lt3A_1043 = arith.cmpi slt, %select_n3A_1036, %lt3A_1042 : i32
    %ne3A_1044 = arith.xori %lt3A_1041, %lt3A_1043 : i1
    %and3A_1045 = arith.andi %ne3A_1044, %ne3A_1039 : i1
    %add3A_1046 = arith.addi %rem3A_1037, %select_n3A_1036 : i32
    %select_n3A_1047 = arith.select %and3A_1045, %add3A_1046, %rem3A_1037 : i32
    %get3A_1048 = arith.index_cast %arg0 : i32 to index
    %get3A_1049 = arith.constant 13 : index
    %get3A_1050 = arith.constant 1 : index
    %get3A_1051 = memref.load %arg1[%get3A_1048, %get3A_1049, %get3A_1050] : memref<32x16x2xi32, #tpu.memory_space<smem>>
    %jit3A_1052 = arith.constant 8 : i32
    %eq3A_1053 = arith.constant 0 : i32
    %eq3A_1054 = arith.cmpi eq, %jit3A_1052, %eq3A_1053 : i32
    %jit3A_1055 = arith.constant 1 : i32
    %select_n3A_1056 = arith.select %eq3A_1054, %jit3A_1055, %jit3A_1052 : i32
    %rem3A_1057 = arith.remsi %get3A_1051, %select_n3A_1056 : i32
    %ne3A_1058 = arith.constant 0 : i32
    %ne3A_1059 = arith.cmpi ne, %rem3A_1057, %ne3A_1058 : i32
    %lt3A_1060 = arith.constant 0 : i32
    %lt3A_1061 = arith.cmpi slt, %rem3A_1057, %lt3A_1060 : i32
    %lt3A_1062 = arith.constant 0 : i32
    %lt3A_1063 = arith.cmpi slt, %select_n3A_1056, %lt3A_1062 : i32
    %ne3A_1064 = arith.xori %lt3A_1061, %lt3A_1063 : i1
    %and3A_1065 = arith.andi %ne3A_1064, %ne3A_1059 : i1
    %add3A_1066 = arith.addi %rem3A_1057, %select_n3A_1056 : i32
    %select_n3A_1067 = arith.select %and3A_1065, %add3A_1066, %rem3A_1057 : i32
    %get3A_1068 = arith.constant 13 : index
    %get3A_1069 = arith.index_cast %select_n3A_1047 : i32 to index
    %get3A_1070 = arith.constant 0 : index
    %get3A_1071 = vector.load %arg2[%get3A_1068, %get3A_1069, %get3A_1070] : memref<16x40x64xf32, #tpu.memory_space<vmem>>, vector<1x32x64xf32>
    %get3A_1072 = vector.shape_cast %get3A_1071 : vector<1x32x64xf32> to vector<32x64xf32>
    %get3A_1073 = arith.constant 13 : index
    %get3A_1074 = arith.index_cast %select_n3A_1067 : i32 to index
    %get3A_1075 = arith.constant 0 : index
    %get3A_1076 = vector.load %arg3[%get3A_1073, %get3A_1074, %get3A_1075] : memref<16x40x64xf32, #tpu.memory_space<vmem>>, vector<1x32x64xf32>
    %get3A_1077 = vector.shape_cast %get3A_1076 : vector<1x32x64xf32> to vector<32x64xf32>
    %broadcast_in_dim3A_1078 = vector.shape_cast %get3A_1072 : vector<32x64xf32> to vector<1x32x64xf32>
    %broadcast_in_dim3A_1079 = vector.shape_cast %broadcast_in_dim3A_1078 : vector<1x32x64xf32> to vector<1x32x64xf32>
    %broadcast_in_dim3A_1080 = vector.broadcast %broadcast_in_dim3A_1079 : vector<1x32x64xf32> to vector<32x32x64xf32>
    %broadcast_in_dim3A_1081 = vector.shape_cast %get3A_1077 : vector<32x64xf32> to vector<32x1x64xf32>
    %broadcast_in_dim3A_1082 = vector.shape_cast %broadcast_in_dim3A_1081 : vector<32x1x64xf32> to vector<32x1x64xf32>
    %broadcast_in_dim3A_1083 = vector.broadcast %broadcast_in_dim3A_1082 : vector<32x1x64xf32> to vector<32x32x64xf32>
    %concatenate3A_1084 = tpu.concatenate %broadcast_in_dim3A_1080, %broadcast_in_dim3A_1083 in 2 : vector<32x32x64xf32>, vector<32x32x64xf32> -> vector<32x32x128xf32>
    %swap3A_1085 = arith.constant 0 : index
    %swap3A_1086 = arith.constant 13 : index
    %swap3A_1087 = arith.constant 0 : index
    %swap3A_1088 = arith.constant 0 : index
    %swap3A_1089 = arith.constant 0 : index
    %swap3A_1090 = vector.load %arg5[%swap3A_1085, %swap3A_1086, %swap3A_1087, %swap3A_1088, %swap3A_1089] : memref<1x16x32x32x129xf32, #tpu.memory_space<vmem>>, vector<1x1x32x32x128xf32>
    %swap3A_1091 = vector.shape_cast %swap3A_1090 : vector<1x1x32x32x128xf32> to vector<32x32x128xf32>
    %swap3A_1092 = vector.shape_cast %concatenate3A_1084 : vector<32x32x128xf32> to vector<1x1x32x32x128xf32>
    tpu.vector_store %arg5[%swap3A_1085, %swap3A_1086, %swap3A_1087, %swap3A_1088, %swap3A_1089], %swap3A_1092 {strides = array<i32>} : memref<1x16x32x32x129xf32, #tpu.memory_space<vmem>>, vector<1x1x32x32x128xf32>,
    %get3A_1093 = arith.constant 0 : index
    %get3A_1094 = arith.constant 13 : index
    %get3A_1095 = arith.constant 0 : index
    %get3A_1096 = arith.constant 0 : index
    %get3A_1097 = vector.load %arg4[%get3A_1093, %get3A_1094, %get3A_1095, %get3A_1096] : memref<1x16x32x32xf32, #tpu.memory_space<vmem>>, vector<1x1x32x32xf32>
    %get3A_1098 = vector.shape_cast %get3A_1097 : vector<1x1x32x32xf32> to vector<32x32xf32>
    %broadcast_in_dim3A_1099 = vector.shape_cast %get3A_1098 : vector<32x32xf32> to vector<32x32x1xf32>
    %swap3A_1100 = arith.constant 0 : index
    %swap3A_1101 = arith.constant 13 : index
    %swap3A_1102 = arith.constant 0 : index
    %swap3A_1103 = arith.constant 0 : index
    %swap3A_1104 = arith.constant 128 : index
    %swap3A_1105 = vector.load %arg5[%swap3A_1100, %swap3A_1101, %swap3A_1102, %swap3A_1103, %swap3A_1104] : memref<1x16x32x32x129xf32, #tpu.memory_space<vmem>>, vector<1x1x32x32x1xf32>
    %swap3A_1106 = vector.shape_cast %swap3A_1105 : vector<1x1x32x32x1xf32> to vector<32x32x1xf32>
    %swap3A_1107 = vector.shape_cast %broadcast_in_dim3A_1099 : vector<32x32x1xf32> to vector<1x1x32x32x1xf32>
    tpu.vector_store %arg5[%swap3A_1100, %swap3A_1101, %swap3A_1102, %swap3A_1103, %swap3A_1104], %swap3A_1107 {strides = array<i32>} : memref<1x16x32x32x129xf32, #tpu.memory_space<vmem>>, vector<1x1x32x32x1xf32>,
    %get3A_1108 = arith.index_cast %arg0 : i32 to index
    %get3A_1109 = arith.constant 14 : index
    %get3A_1110 = arith.constant 0 : index
    %get3A_1111 = memref.load %arg1[%get3A_1108, %get3A_1109, %get3A_1110] : memref<32x16x2xi32, #tpu.memory_space<smem>>
    %jit3A_1112 = arith.constant 8 : i32
    %eq3A_1113 = arith.constant 0 : i32
    %eq3A_1114 = arith.cmpi eq, %jit3A_1112, %eq3A_1113 : i32
    %jit3A_1115 = arith.constant 1 : i32
    %select_n3A_1116 = arith.select %eq3A_1114, %jit3A_1115, %jit3A_1112 : i32
    %rem3A_1117 = arith.remsi %get3A_1111, %select_n3A_1116 : i32
    %ne3A_1118 = arith.constant 0 : i32
    %ne3A_1119 = arith.cmpi ne, %rem3A_1117, %ne3A_1118 : i32
    %lt3A_1120 = arith.constant 0 : i32
    %lt3A_1121 = arith.cmpi slt, %rem3A_1117, %lt3A_1120 : i32
    %lt3A_1122 = arith.constant 0 : i32
    %lt3A_1123 = arith.cmpi slt, %select_n3A_1116, %lt3A_1122 : i32
    %ne3A_1124 = arith.xori %lt3A_1121, %lt3A_1123 : i1
    %and3A_1125 = arith.andi %ne3A_1124, %ne3A_1119 : i1
    %add3A_1126 = arith.addi %rem3A_1117, %select_n3A_1116 : i32
    %select_n3A_1127 = arith.select %and3A_1125, %add3A_1126, %rem3A_1117 : i32
    %get3A_1128 = arith.index_cast %arg0 : i32 to index
    %get3A_1129 = arith.constant 14 : index
    %get3A_1130 = arith.constant 1 : index
    %get3A_1131 = memref.load %arg1[%get3A_1128, %get3A_1129, %get3A_1130] : memref<32x16x2xi32, #tpu.memory_space<smem>>
    %jit3A_1132 = arith.constant 8 : i32
    %eq3A_1133 = arith.constant 0 : i32
    %eq3A_1134 = arith.cmpi eq, %jit3A_1132, %eq3A_1133 : i32
    %jit3A_1135 = arith.constant 1 : i32
    %select_n3A_1136 = arith.select %eq3A_1134, %jit3A_1135, %jit3A_1132 : i32
    %rem3A_1137 = arith.remsi %get3A_1131, %select_n3A_1136 : i32
    %ne3A_1138 = arith.constant 0 : i32
    %ne3A_1139 = arith.cmpi ne, %rem3A_1137, %ne3A_1138 : i32
    %lt3A_1140 = arith.constant 0 : i32
    %lt3A_1141 = arith.cmpi slt, %rem3A_1137, %lt3A_1140 : i32
    %lt3A_1142 = arith.constant 0 : i32
    %lt3A_1143 = arith.cmpi slt, %select_n3A_1136, %lt3A_1142 : i32
    %ne3A_1144 = arith.xori %lt3A_1141, %lt3A_1143 : i1
    %and3A_1145 = arith.andi %ne3A_1144, %ne3A_1139 : i1
    %add3A_1146 = arith.addi %rem3A_1137, %select_n3A_1136 : i32
    %select_n3A_1147 = arith.select %and3A_1145, %add3A_1146, %rem3A_1137 : i32
    %get3A_1148 = arith.constant 14 : index
    %get3A_1149 = arith.index_cast %select_n3A_1127 : i32 to index
    %get3A_1150 = arith.constant 0 : index
    %get3A_1151 = vector.load %arg2[%get3A_1148, %get3A_1149, %get3A_1150] : memref<16x40x64xf32, #tpu.memory_space<vmem>>, vector<1x32x64xf32>
    %get3A_1152 = vector.shape_cast %get3A_1151 : vector<1x32x64xf32> to vector<32x64xf32>
    %get3A_1153 = arith.constant 14 : index
    %get3A_1154 = arith.index_cast %select_n3A_1147 : i32 to index
    %get3A_1155 = arith.constant 0 : index
    %get3A_1156 = vector.load %arg3[%get3A_1153, %get3A_1154, %get3A_1155] : memref<16x40x64xf32, #tpu.memory_space<vmem>>, vector<1x32x64xf32>
    %get3A_1157 = vector.shape_cast %get3A_1156 : vector<1x32x64xf32> to vector<32x64xf32>
    %broadcast_in_dim3A_1158 = vector.shape_cast %get3A_1152 : vector<32x64xf32> to vector<1x32x64xf32>
    %broadcast_in_dim3A_1159 = vector.shape_cast %broadcast_in_dim3A_1158 : vector<1x32x64xf32> to vector<1x32x64xf32>
    %broadcast_in_dim3A_1160 = vector.broadcast %broadcast_in_dim3A_1159 : vector<1x32x64xf32> to vector<32x32x64xf32>
    %broadcast_in_dim3A_1161 = vector.shape_cast %get3A_1157 : vector<32x64xf32> to vector<32x1x64xf32>
    %broadcast_in_dim3A_1162 = vector.shape_cast %broadcast_in_dim3A_1161 : vector<32x1x64xf32> to vector<32x1x64xf32>
    %broadcast_in_dim3A_1163 = vector.broadcast %broadcast_in_dim3A_1162 : vector<32x1x64xf32> to vector<32x32x64xf32>
    %concatenate3A_1164 = tpu.concatenate %broadcast_in_dim3A_1160, %broadcast_in_dim3A_1163 in 2 : vector<32x32x64xf32>, vector<32x32x64xf32> -> vector<32x32x128xf32>
    %swap3A_1165 = arith.constant 0 : index
    %swap3A_1166 = arith.constant 14 : index
    %swap3A_1167 = arith.constant 0 : index
    %swap3A_1168 = arith.constant 0 : index
    %swap3A_1169 = arith.constant 0 : index
    %swap3A_1170 = vector.load %arg5[%swap3A_1165, %swap3A_1166, %swap3A_1167, %swap3A_1168, %swap3A_1169] : memref<1x16x32x32x129xf32, #tpu.memory_space<vmem>>, vector<1x1x32x32x128xf32>
    %swap3A_1171 = vector.shape_cast %swap3A_1170 : vector<1x1x32x32x128xf32> to vector<32x32x128xf32>
    %swap3A_1172 = vector.shape_cast %concatenate3A_1164 : vector<32x32x128xf32> to vector<1x1x32x32x128xf32>
    tpu.vector_store %arg5[%swap3A_1165, %swap3A_1166, %swap3A_1167, %swap3A_1168, %swap3A_1169], %swap3A_1172 {strides = array<i32>} : memref<1x16x32x32x129xf32, #tpu.memory_space<vmem>>, vector<1x1x32x32x128xf32>,
    %get3A_1173 = arith.constant 0 : index
    %get3A_1174 = arith.constant 14 : index
    %get3A_1175 = arith.constant 0 : index
    %get3A_1176 = arith.constant 0 : index
    %get3A_1177 = vector.load %arg4[%get3A_1173, %get3A_1174, %get3A_1175, %get3A_1176] : memref<1x16x32x32xf32, #tpu.memory_space<vmem>>, vector<1x1x32x32xf32>
    %get3A_1178 = vector.shape_cast %get3A_1177 : vector<1x1x32x32xf32> to vector<32x32xf32>
    %broadcast_in_dim3A_1179 = vector.shape_cast %get3A_1178 : vector<32x32xf32> to vector<32x32x1xf32>
    %swap3A_1180 = arith.constant 0 : index
    %swap3A_1181 = arith.constant 14 : index
    %swap3A_1182 = arith.constant 0 : index
    %swap3A_1183 = arith.constant 0 : index
    %swap3A_1184 = arith.constant 128 : index
    %swap3A_1185 = vector.load %arg5[%swap3A_1180, %swap3A_1181, %swap3A_1182, %swap3A_1183, %swap3A_1184] : memref<1x16x32x32x129xf32, #tpu.memory_space<vmem>>, vector<1x1x32x32x1xf32>
    %swap3A_1186 = vector.shape_cast %swap3A_1185 : vector<1x1x32x32x1xf32> to vector<32x32x1xf32>
    %swap3A_1187 = vector.shape_cast %broadcast_in_dim3A_1179 : vector<32x32x1xf32> to vector<1x1x32x32x1xf32>
    tpu.vector_store %arg5[%swap3A_1180, %swap3A_1181, %swap3A_1182, %swap3A_1183, %swap3A_1184], %swap3A_1187 {strides = array<i32>} : memref<1x16x32x32x129xf32, #tpu.memory_space<vmem>>, vector<1x1x32x32x1xf32>,
    %get3A_1188 = arith.index_cast %arg0 : i32 to index
    %get3A_1189 = arith.constant 15 : index
    %get3A_1190 = arith.constant 0 : index
    %get3A_1191 = memref.load %arg1[%get3A_1188, %get3A_1189, %get3A_1190] : memref<32x16x2xi32, #tpu.memory_space<smem>>
    %jit3A_1192 = arith.constant 8 : i32
    %eq3A_1193 = arith.constant 0 : i32
    %eq3A_1194 = arith.cmpi eq, %jit3A_1192, %eq3A_1193 : i32
    %jit3A_1195 = arith.constant 1 : i32
    %select_n3A_1196 = arith.select %eq3A_1194, %jit3A_1195, %jit3A_1192 : i32
    %rem3A_1197 = arith.remsi %get3A_1191, %select_n3A_1196 : i32
    %ne3A_1198 = arith.constant 0 : i32
    %ne3A_1199 = arith.cmpi ne, %rem3A_1197, %ne3A_1198 : i32
    %lt3A_1200 = arith.constant 0 : i32
    %lt3A_1201 = arith.cmpi slt, %rem3A_1197, %lt3A_1200 : i32
    %lt3A_1202 = arith.constant 0 : i32
    %lt3A_1203 = arith.cmpi slt, %select_n3A_1196, %lt3A_1202 : i32
    %ne3A_1204 = arith.xori %lt3A_1201, %lt3A_1203 : i1
    %and3A_1205 = arith.andi %ne3A_1204, %ne3A_1199 : i1
    %add3A_1206 = arith.addi %rem3A_1197, %select_n3A_1196 : i32
    %select_n3A_1207 = arith.select %and3A_1205, %add3A_1206, %rem3A_1197 : i32
    %get3A_1208 = arith.index_cast %arg0 : i32 to index
    %get3A_1209 = arith.constant 15 : index
    %get3A_1210 = arith.constant 1 : index
    %get3A_1211 = memref.load %arg1[%get3A_1208, %get3A_1209, %get3A_1210] : memref<32x16x2xi32, #tpu.memory_space<smem>>
    %jit3A_1212 = arith.constant 8 : i32
    %eq3A_1213 = arith.constant 0 : i32
    %eq3A_1214 = arith.cmpi eq, %jit3A_1212, %eq3A_1213 : i32
    %jit3A_1215 = arith.constant 1 : i32
    %select_n3A_1216 = arith.select %eq3A_1214, %jit3A_1215, %jit3A_1212 : i32
    %rem3A_1217 = arith.remsi %get3A_1211, %select_n3A_1216 : i32
    %ne3A_1218 = arith.constant 0 : i32
    %ne3A_1219 = arith.cmpi ne, %rem3A_1217, %ne3A_1218 : i32
    %lt3A_1220 = arith.constant 0 : i32
    %lt3A_1221 = arith.cmpi slt, %rem3A_1217, %lt3A_1220 : i32
    %lt3A_1222 = arith.constant 0 : i32
    %lt3A_1223 = arith.cmpi slt, %select_n3A_1216, %lt3A_1222 : i32
    %ne3A_1224 = arith.xori %lt3A_1221, %lt3A_1223 : i1
    %and3A_1225 = arith.andi %ne3A_1224, %ne3A_1219 : i1
    %add3A_1226 = arith.addi %rem3A_1217, %select_n3A_1216 : i32
    %select_n3A_1227 = arith.select %and3A_1225, %add3A_1226, %rem3A_1217 : i32
    %get3A_1228 = arith.constant 15 : index
    %get3A_1229 = arith.index_cast %select_n3A_1207 : i32 to index
    %get3A_1230 = arith.constant 0 : index
    %get3A_1231 = vector.load %arg2[%get3A_1228, %get3A_1229, %get3A_1230] : memref<16x40x64xf32, #tpu.memory_space<vmem>>, vector<1x32x64xf32>
    %get3A_1232 = vector.shape_cast %get3A_1231 : vector<1x32x64xf32> to vector<32x64xf32>
    %get3A_1233 = arith.constant 15 : index
    %get3A_1234 = arith.index_cast %select_n3A_1227 : i32 to index
    %get3A_1235 = arith.constant 0 : index
    %get3A_1236 = vector.load %arg3[%get3A_1233, %get3A_1234, %get3A_1235] : memref<16x40x64xf32, #tpu.memory_space<vmem>>, vector<1x32x64xf32>
    %get3A_1237 = vector.shape_cast %get3A_1236 : vector<1x32x64xf32> to vector<32x64xf32>
    %broadcast_in_dim3A_1238 = vector.shape_cast %get3A_1232 : vector<32x64xf32> to vector<1x32x64xf32>
    %broadcast_in_dim3A_1239 = vector.shape_cast %broadcast_in_dim3A_1238 : vector<1x32x64xf32> to vector<1x32x64xf32>
    %broadcast_in_dim3A_1240 = vector.broadcast %broadcast_in_dim3A_1239 : vector<1x32x64xf32> to vector<32x32x64xf32>
    %broadcast_in_dim3A_1241 = vector.shape_cast %get3A_1237 : vector<32x64xf32> to vector<32x1x64xf32>
    %broadcast_in_dim3A_1242 = vector.shape_cast %broadcast_in_dim3A_1241 : vector<32x1x64xf32> to vector<32x1x64xf32>
    %broadcast_in_dim3A_1243 = vector.broadcast %broadcast_in_dim3A_1242 : vector<32x1x64xf32> to vector<32x32x64xf32>
    %concatenate3A_1244 = tpu.concatenate %broadcast_in_dim3A_1240, %broadcast_in_dim3A_1243 in 2 : vector<32x32x64xf32>, vector<32x32x64xf32> -> vector<32x32x128xf32>
    %swap3A_1245 = arith.constant 0 : index
    %swap3A_1246 = arith.constant 15 : index
    %swap3A_1247 = arith.constant 0 : index
    %swap3A_1248 = arith.constant 0 : index
    %swap3A_1249 = arith.constant 0 : index
    %swap3A_1250 = vector.load %arg5[%swap3A_1245, %swap3A_1246, %swap3A_1247, %swap3A_1248, %swap3A_1249] : memref<1x16x32x32x129xf32, #tpu.memory_space<vmem>>, vector<1x1x32x32x128xf32>
    %swap3A_1251 = vector.shape_cast %swap3A_1250 : vector<1x1x32x32x128xf32> to vector<32x32x128xf32>
    %swap3A_1252 = vector.shape_cast %concatenate3A_1244 : vector<32x32x128xf32> to vector<1x1x32x32x128xf32>
    tpu.vector_store %arg5[%swap3A_1245, %swap3A_1246, %swap3A_1247, %swap3A_1248, %swap3A_1249], %swap3A_1252 {strides = array<i32>} : memref<1x16x32x32x129xf32, #tpu.memory_space<vmem>>, vector<1x1x32x32x128xf32>,
    %get3A_1253 = arith.constant 0 : index
    %get3A_1254 = arith.constant 15 : index
    %get3A_1255 = arith.constant 0 : index
    %get3A_1256 = arith.constant 0 : index
    %get3A_1257 = vector.load %arg4[%get3A_1253, %get3A_1254, %get3A_1255, %get3A_1256] : memref<1x16x32x32xf32, #tpu.memory_space<vmem>>, vector<1x1x32x32xf32>
    %get3A_1258 = vector.shape_cast %get3A_1257 : vector<1x1x32x32xf32> to vector<32x32xf32>
    %broadcast_in_dim3A_1259 = vector.shape_cast %get3A_1258 : vector<32x32xf32> to vector<32x32x1xf32>
    %swap3A_1260 = arith.constant 0 : index
    %swap3A_1261 = arith.constant 15 : index
    %swap3A_1262 = arith.constant 0 : index
    %swap3A_1263 = arith.constant 0 : index
    %swap3A_1264 = arith.constant 128 : index
    %swap3A_1265 = vector.load %arg5[%swap3A_1260, %swap3A_1261, %swap3A_1262, %swap3A_1263, %swap3A_1264] : memref<1x16x32x32x129xf32, #tpu.memory_space<vmem>>, vector<1x1x32x32x1xf32>
    %swap3A_1266 = vector.shape_cast %swap3A_1265 : vector<1x1x32x32x1xf32> to vector<32x32x1xf32>
    %swap3A_1267 = vector.shape_cast %broadcast_in_dim3A_1259 : vector<32x32x1xf32> to vector<1x1x32x32x1xf32>
    tpu.vector_store %arg5[%swap3A_1260, %swap3A_1261, %swap3A_1262, %swap3A_1263, %swap3A_1264], %swap3A_1267 {strides = array<i32>} : memref<1x16x32x32x129xf32, #tpu.memory_space<vmem>>, vector<1x1x32x32x1xf32>,
    return
  }
  func.func @transform_0(%arg0: i32, %arg1: memref<32x16x2xi32, #tpu.memory_space<smem>>) -> (i32, i32, i32) {
    %c0_i32 = arith.constant 0 : i32
    %c0_i32_0 = arith.constant 0 : i32
    %c0_i32_1 = arith.constant 0 : i32
    return %arg0, %c0_i32, %c0_i32_0 : i32, i32, i32
  }
  func.func @transform_1(%arg0: i32, %arg1: memref<32x16x2xi32, #tpu.memory_space<smem>>) -> (i32, i32, i32) {
    %c0_i32 = arith.constant 0 : i32
    %c0_i32_0 = arith.constant 0 : i32
    %c0_i32_1 = arith.constant 0 : i32
    return %arg0, %c0_i32, %c0_i32_0 : i32, i32, i32
  }
  func.func @transform_2(%arg0: i32, %arg1: memref<32x16x2xi32, #tpu.memory_space<smem>>) -> (i32, i32, i32, i32) {
    %c0_i32 = arith.constant 0 : i32
    %c0_i32_0 = arith.constant 0 : i32
    %c0_i32_1 = arith.constant 0 : i32
    %c0_i32_2 = arith.constant 0 : i32
    return %arg0, %c0_i32, %c0_i32_0, %c0_i32_1 : i32, i32, i32, i32
  }
  func.func @transform_3(%arg0: i32, %arg1: memref<32x16x2xi32, #tpu.memory_space<smem>>) -> (i32, i32, i32, i32, i32) {
    %c0_i32 = arith.constant 0 : i32
    %c0_i32_0 = arith.constant 0 : i32
    %c0_i32_1 = arith.constant 0 : i32
    %c0_i32_2 = arith.constant 0 : i32
    %c0_i32_3 = arith.constant 0 : i32
    return %arg0, %c0_i32, %c0_i32_0, %c0_i32_1, %c0_i32_2 : i32, i32, i32, i32, i32
  }
}

</mosaic_0001>

<sc_bundles>
// kernel: kernel.4.cloned.1.call-start
scs
__scs_entry_jumppad:
0x0: {  	(pc) =	sbr.rel $0x88, $3  }
0x1: {  	(tag) =	ssettag $0x0;
	lr =	simm.s32 $0x1  }
0x2: {  	[smem:$0x3F9D] =	sst lr;
	_ =	strace $0xD0000000  }
0x3: {  	_ = 	snop  }
0x4: {  	_ = 	snop  }
0x5: {  	_ = 	snop  }
0x6: {  	_ = 	snop  }
0x7: {  	_ = 	snop  }
__scs_overlays_trampoline_lowered:
0x8: {  	[smem:$0x3FAC] =	sst s0  }
0x9: {  	[smem:$0x3FAD] =	sst s1  }
0xa: {  	[smem:$0x3FAE] =	sst s2  }
0xb: {  	[smem:$0x3FAF] =	sst s3  }
0xc: {  	[smem:$0x3FB0] =	sst s4  }
0xd: {  	[smem:$0x3FB1] =	sst s5  }
0xe: {  	[smem:$0x3FB2] =	sst s6  }
0xf: {  	[smem:$0x3FB3] =	sst s7  }
0x10: {  	[smem:$0x3FB4] =	sst s8  }
0x11: {  	[smem:$0x3FB5] =	sst s9;
	s0 =	simm.s32 @!p0 $0x0  }
0x12: {  	s1 =	sld [smem:$0x3F9B];
	s0 =	simm.s32 @p0 $0x1  }
0x13: {  	[smem:$0x3FB6] =	sst s0;
	s0 =	simm.s32 @!p1 $0x0  }
0x14: {  	s2 =	sld [smem:$0x3F9A];
	s0 =	simm.s32 @p1 $0x1  }
0x15: {  	[smem:$0x3FB7] =	sst s0;
	s0 =	simm.s32 @!p2 $0x0  }
0x16: {  	s3 =	sld [smem:$0x3FDB];
	s0 =	simm.s32 @p2 $0x1  }
0x17: {  	s4 =	simm.s32 $0x1BF5;
	[smem:$0x3FB9] =	sst s0  }
0x18: {  	s0 =	sld [smem:$0x3F9C];
	_ =	swait.ge [sflag:s4], $0x0  }
0x19: {  	s7 =	sld [smem:$0x3F9D]  }
0x1a: {  	s8 =	sadd.s32 $0xFFFFE003, lr  }
0x1b: {  	s9 =	sadd.s32 $0xFFFFFEF7, lr;
	s5 =	simm.s32 $0xFFFFFFFF;
	p2 =	slt.u32 s8, $0xFFFFF086  }
0x1c: {  	p1 =	slt.u32 s9, $0xF7A;
	s5 =	simm.s32 @!p2 $0x0  }
0x1d: {  	s5 =	simm.s32 @p1 $0x1;
	p0 =	seq.s32 s7, s2  }
0x1e: {  	s7 =	smul.u32 @!p0 $0xF7A, s2;
	p2 =	seq.s32 @!p0 s5, $0x0  }
0x1f: {  	s9 =	smul.u32 $0xF7A, s1;
	s8 =	simm.s32 @!p0 $0x1BF5;
	p2 =	por !p2, p0  }
0x20: {  	[sflag:s8] =	ssyncset.s32 @!p0 $0xFFFFF086;
	s6 =	sadd.s32 @!p0 s3, s7;
	s7 =	simm.s32 @!p0 $0x108  }
0x21: {  	s3 =	sadd.s32 s3, s9;
	s6 =	sadd.s32 @!p0 $0x88, s6;
	s7 =	simm.s32 @p2 $0x1082  }
0x22: {  	[simem:s7], [sflag:s8] =	dma.local @!p0 [hbm:s6], $0xF7A  }
0x23: {  	s9 =	sor.u32 $0xD0000000, s2;
	s6 =	simm.s32 $0x108;
	_ =	swait.ge @!p0 [sflag:s8], $0x0  }
0x24: {  	s3 =	sadd.s32 $0x88, s3;
	s6 =	simm.s32 @!p1 $0x1082;
	[sflag:s4] =	ssyncset.s32 $0xFFFFF086  }
0x25: {  	[simem:s6], [sflag:s4] =	dma.local [hbm:s3], $0xF7A  }
0x26: {  	[smem:$0x3F9D] =	sst s1;
	(tag) =	ssettag s2;
	_ =	strace s9  }
0x27: {  	s1 =	sld [smem:$0x3FAD]  }
0x28: {  	s2 =	sld [smem:$0x3FAE]  }
0x29: {  	s4 =	sld [smem:$0x3FB0]  }
0x2a: {  	p0 =	seq.s32 s5, $0x0;
	s5 =	sld [smem:$0x3FB1]  }
0x2b: {  	s6 =	sld [smem:$0x3FB2]  }
0x2c: {  	s7 =	sld [smem:$0x3FB3]  }
0x2d: {  	s3 =	simm.s32 $0x108;
	s8 =	sld [smem:$0x3FB4]  }
0x2e: {  	s3 =	simm.s32 @!p0 $0x1082;
	s9 =	sld [smem:$0x3FB5]  }
0x2f: {  	lr =	sadd.s32 s0, s3;
	s0 =	sld [smem:$0x3FAC]  }
0x30: {  	s3 =	sld [smem:$0x3FAF]  }
0x31: {  	[smem:$0x3FB8] =	sst s10  }
0x32: {  	s10 =	sld [smem:$0x3FB6];
	_ =	sdelay $0x3  }
0x33: {  	p0 =	seq.s32 s10, $0x1;
	s10 =	sld [smem:$0x3FB8];
	_ =	sdelay $0x3  }
0x34: {  	[smem:$0x3FB8] =	sst s10  }
0x35: {  	s10 =	sld [smem:$0x3FB7];
	_ =	sdelay $0x3  }
0x36: {  	p1 =	seq.s32 s10, $0x1;
	s10 =	sld [smem:$0x3FB8];
	_ =	sdelay $0x3  }
0x37: {  	[smem:$0x3FB8] =	sst s10  }
0x38: {  	s10 =	sld [smem:$0x3FB9]  }
0x39: {  	_ = 	snop;
	(pc) =	sbr.ind lr, $3  }
0x3a: {  	_ = 	snop  }
0x3b: {  	_ = 	snop  }
0x3c: {  	p2 =	seq.s32 s10, $0x1;
	s10 =	sld [smem:$0x3FB8]  }
0x3d: {  	_ =	shalt  }
0x3e: {  	_ =	shalt  }
0x3f: {  	_ =	shalt  }
0x40: {  	_ =	shalt  }
0x41: {  	_ =	shalt  }
0x42: {  	_ =	shalt  }
0x43: {  	_ =	shalt  }
0x44: {  	_ =	shalt  }
0x45: {  	_ =	shalt  }
0x46: {  	_ =	shalt  }
0x47: {  	_ =	shalt  }
0x48: {  	_ =	shalt  }
0x49: {  	_ =	shalt  }
0x4a: {  	_ =	shalt  }
0x4b: {  	_ =	shalt  }
0x4c: {  	_ =	shalt  }
0x4d: {  	_ =	shalt  }
0x4e: {  	_ =	shalt  }
0x4f: {  	_ =	shalt  }
0x50: {  	_ =	shalt  }
0x51: {  	_ =	shalt  }
0x52: {  	_ =	shalt  }
0x53: {  	_ =	shalt  }
0x54: {  	_ =	shalt  }
0x55: {  	_ =	shalt  }
0x56: {  	_ =	shalt  }
0x57: {  	_ =	shalt  }
0x58: {  	_ =	shalt  }
0x59: {  	_ =	shalt  }
0x5a: {  	_ =	shalt  }
0x5b: {  	_ =	shalt  }
0x5c: {  	_ =	shalt  }
0x5d: {  	_ =	shalt  }
0x5e: {  	_ =	shalt  }
0x5f: {  	_ =	shalt  }
0x60: {  	_ =	shalt  }
0x61: {  	_ =	shalt  }
0x62: {  	_ =	shalt  }
0x63: {  	_ =	shalt  }
0x64: {  	_ =	shalt  }
0x65: {  	_ =	shalt  }
0x66: {  	_ =	shalt  }
0x67: {  	_ =	shalt  }
0x68: {  	_ =	shalt  }
0x69: {  	_ =	shalt  }
0x6a: {  	_ =	shalt  }
0x6b: {  	_ =	shalt  }
0x6c: {  	_ =	shalt  }
0x6d: {  	_ =	shalt  }
0x6e: {  	_ =	shalt  }
0x6f: {  	_ =	shalt  }
0x70: {  	_ =	shalt  }
0x71: {  	_ =	shalt  }
0x72: {  	_ =	shalt  }
0x73: {  	_ =	shalt  }
0x74: {  	_ =	shalt  }
0x75: {  	_ =	shalt  }
0x76: {  	_ =	shalt  }
0x77: {  	_ =	shalt  }
0x78: {  	_ =	shalt  }
0x79: {  	_ =	shalt  }
0x7a: {  	_ =	shalt  }
0x7b: {  	_ =	shalt  }
0x7c: {  	_ =	shalt  }
0x7d: {  	_ =	shalt  }
0x7e: {  	_ =	shalt  }
0x7f: {  	_ =	shalt  }
0x80: {  	_ =	shalt  }
0x81: {  	_ =	shalt  }
0x82: {  	_ =	shalt  }
0x83: {  	_ =	shalt  }
0x84: {  	_ =	shalt  }
0x85: {  	_ =	shalt  }
0x86: {  	_ =	shalt  }
0x87: {  	_ =	shalt  }
.Lfunc_end0:
.L_simem_size_0:
called_computation_lowered:
.L_overlay_start_0:
0x88: {  	s2 =	sld [smem:$0x3FD9]  }
0x89: {  	s3 =	sld [smem:$0x3FFE];
	_ =	sdelay $0x1  }
0x8a: {  	s1 =	srdreg.scid  }
0x8b: {  	s0 =	sand.u32 $0x1, s1  }
0x8c: {  	s21 =	sshll.u32 s0, $0xA;
	s2 =	sadd.s32 s3, s2  }
0x8d: {  	s2 =	sadd.s32 s2, s21  }
0x8e: {  	s22 =	simm.s32 $0x0;
	[smem:$0x3FC4] =	sst s2  }
0x8f: {  	[smem:$0xF] =	sst s22  }
0x90: {  	s2 =	sld [smem:$0x3FD0];
	(tm) =	ssettm $0x1  }
0x91: {  	s23 =	sld [smem:$0x3FFB];
	_ =	sdelay $0x3  }
0x92: {  	_ =	strace s23  }
0x93: {  	s3 =	sld [smem:$0x3FFC];
	_ =	sdelay $0x3  }
0x94: {  	_ =	strace s3  }
0x95: {  	s3 =	sld [smem:$0x3FFD];
	_ =	sdelay $0x3  }
0x96: {  	_ =	strace s3  }
0x97: {  	s24 =	simm.s32 $0x1B8B;
	_ =	strace $0x8FFFFFFF  }
0x98: {  	_ =	swait.ge [sflag:s24], $0x1  }
0x99: {  	s6 =	sld [smem:$0x3FFE];
	_ =	sdelay $0x1  }
0x9a: {  	[sflag:s24] =	ssyncset.done $0x0  }
0x9b: {  	s25 =	simm.s32 $0x1B8E;
	s26 =	sshll.u32 s0, $0x5;
	[sflag:s24] =	ssyncadd.s32 $0xFFFFFFFF  }
0x9c: {  	s7 =	simm.s32 $0x10;
	[smem:$0x3FD2] =	sst s25;
	s4 =	sadd.s32 s26, s6  }
0x9d: {  	s3 =	simm.s32 $0x9;
	_ =	strace $0x80000046;
	s5 =	sadd.s32 $0x81000, s4  }
0x9e: {  	[smem:s7], [sflag:s3] =	dma.local [hbm:s5], $0x20  }
0x9f: {  	_ =	swait.ge [sflag:s3], $0x20  }
0xa0: {  	[sflag:s3] =	ssyncset.done $0x0  }
0xa1: {  	[sflag:s3] =	ssyncadd.s32 $0xFFFFFFE0  }
0xa2: {  	s29 =	simm.s32 $0x110;
	s28 =	sadd.s32 $0x81200, s4;
	s4 =	simm.s32 $0xA  }
0xa3: {  	[smem:s29], [sflag:s4] =	dma.local [hbm:s28], $0x20  }
0xa4: {  	_ =	swait.ge [sflag:s4], $0x20  }
0xa5: {  	[sflag:s4] =	ssyncset.done $0x0  }
0xa6: {  	[sflag:s4] =	ssyncadd.s32 $0xFFFFFFE0  }
0xa7: {  	s30 =	sld [smem:$0x10]  }
0xa8: {  	s8 =	sld [smem:$0x110]  }
0xa9: {  	s9 =	smul.u32 $0x28000, s0;
	_ =	sdelay $0x1  }
0xaa: {  	s9 =	sadd.s32 s9, s6  }
0xab: {  	s5 =	sadd.s32 $0x1000, s6;
	s7 =	sshll.u32 s30, $0x4;
	s8 =	sshll.u32 s8, $0x4  }
0xac: {  	s6 =	sadd.s32 $0x81400, s9;
	s10 =	sand.u32 $0xFFFFF80, s7;
	s8 =	sand.u32 $0xFFFFF80, s8  }
0xad: {  	s7 =	sadd.s32 $0xD1400, s9;
	s31 =	sadd.s32 s2, s10;
	s8 =	sadd.s32 s5, s8  }
0xae: {  	[hbm:s6], [sflag:s3] =	dma.local [hbm:s31], $0x280  }
0xaf: {  	[hbm:s7], [sflag:s4] =	dma.local [hbm:s8], $0x280  }
0xb0: {  	s9 =	simm.s32 $0x1;
	s8 =	simm.s32 $0x8;
	s10 =	sld [smem:$0x11]  }
.LBB1_1:
0xb1: {  	p0 =	sne.s32 s8, $0x3FC;
	s9 =	sld [smem:s9+$0x110];
	_ =	sdelay $0x2  }
0xb2: {  	s6 =	sadd.s32 $0x280, s6  }
0xb3: {  	s7 =	sadd.s32 $0x280, s7;
	s10 =	sshll.u32 s10, $0x4;
	s9 =	sshll.u32 s9, $0x4  }
0xb4: {  	s10 =	sand.u32 $0xFFFFF80, s10;
	s11 =	sand.u32 $0xFFFFF80, s9;
	s9 =	sshra.s32 s8, $0x2  }
.Ltmp0:
0xb5: {  	s10 =	sadd.s32 s2, s10;
	s11 =	sadd.s32 s5, s11;
	(pc) =	sbr.rel @p0 .LBB1_1-.Ltmp0, $3  }
0xb6: {  	[hbm:s6], [sflag:s3] =	dma.local [hbm:s10], $0x280  }
0xb7: {  	[hbm:s7], [sflag:s4] =	dma.local [hbm:s11], $0x280  }
0xb8: {  	s8 =	sadd.s32 $0x4, s8;
	s10 =	sld [smem:s9+$0x10]  }
0xb9: {  	s8 =	sld [smem:s9+$0x110];
	_ =	sdelay $0x3  }
0xba: {  	s6 =	sadd.s32 $0x280, s6;
	s25 =	sshll.u32 s10, $0x4;
	s8 =	sshll.u32 s8, $0x4  }
0xbb: {  	s7 =	sadd.s32 $0x280, s7;
	s9 =	sand.u32 $0xFFFFF80, s25;
	s8 =	sand.u32 $0xFFFFF80, s8  }
0xbc: {  	s26 =	simm.s32 $0x9;
	s2 =	sadd.s32 s2, s9;
	s5 =	sadd.s32 s5, s8  }
0xbd: {  	[hbm:s6], [sflag:s3] =	dma.local [hbm:s2], $0x280  }
0xbe: {  	[hbm:s7], [sflag:s4] =	dma.local [hbm:s5], $0x280  }
0xbf: {  	_ =	swait.ge [sflag:s26], $0x28000  }
0xc0: {  	[sflag:s26] =	ssyncset.done $0x0  }
0xc1: {  	[sflag:s26] =	ssyncadd.s32 $0xFFFD8000;
	_ =	sdelay $0x1  }
0xc2: {  	s28 =	simm.s32 $0xA  }
0xc3: {  	_ =	swait.ge [sflag:s28], $0x28000  }
0xc4: {  	[sflag:s28] =	ssyncset.done $0x0  }
0xc5: {  	[sflag:s28] =	ssyncadd.s32 $0xFFFD8000  }
0xc6: {  	_ =	strace $0x90000046  }
0xc7: {  	_ =	sfence  }
0xc8: {  	s29 =	sld [smem:$0x0];
	_ =	sdelay $0x2  }
0xc9: {  	s30 =	sshll.u32 s1, $0xD;
	s31 =	sshrl.u32 s1, $0x2  }
0xca: {  	s3 =	sand.u32 $0x4000, s30;
	s1 =	sadd.s32 s31, s29  }
0xcb: {  	s0 =	sor.u32 s3, s0;
	s1 =	sshll.u32 s1, $0x11  }
0xcc: {  	s0 =	sor.u32 s1, s0  }
0xcd: {  	s0 =	sadd.s32 $0x8F2B, s0;
	(pc) =	sbr.abs _section_cstart, $3  }
0xce: {  	[sflag:s0] =	ssyncadd.remote.s32 $0x1  }
0xcf: {  	_ =	strace $0x9FFFFFFF  }
0xd0: {  	(tm) =	ssettm $0x7FFFFFFF  }
0xd1: {  	_ =	shalt  }

</sc_bundles>
